<compile_context>
chip_gen: v7x
topology: tpu7x:2x2x1
jax: 0.10.2.dev20260603
libtpu: 0.0.44.dev20260713+nightly
codegen_flags: <defaults>
</compile_context>

<pallas_src>
import jax
import jax.numpy as jnp
from jax import lax
from jax.experimental import pallas as pl
from jax.experimental.pallas import tpu as pltpu
from jax.experimental.pallas import tpu_sc as plsc

_C = 1024
_S = 2048
_L = 4096
_NC = 2
_NS = 16
_NW = _NC * _NS
_NBLK = 16
_IPB = _S // _NBLK
_CHALF = _C // 2
_CROWS = _C // _NW
_RPC = _L // 128
_SH = _S // 128
_NCCH = 8


def _body(x_hbm, cache_hbm, emb_hbm, out_hbm, idx_v, rows_a, rows_b,
          trans_a, trans_b, cbuf_a, cbuf_b, tidx_all,
          gidx_all, sidx_all, gsem, tsem, cgsem, cssem):
    wid = lax.axis_index("s") * _NC + lax.axis_index("c")
    blk = wid // 2
    half = wid % 2
    coff = half * _CHALF
    crow = wid * _CROWS
    iota = lax.iota(jnp.int32, 16)
    rows = (rows_a, rows_b)
    trans = (trans_a, trans_b)
    cbuf = (cbuf_a, cbuf_b)

    pltpu.sync_copy(x_hbm.at[pl.ds(blk * _IPB, _IPB)], idx_v)
    h_emb = [None, None]
    h_emb[0] = pltpu.async_copy(
        emb_hbm.at[idx_v, pl.ds(coff, _CHALF // 2)], rows_a, gsem)

    @plsc.parallel_loop(0, 4 * _NCCH)
    def cfill(t):
        base = (crow + t) * _RPC
        r = t // 4
        o = (t % 4) * 16
        gidx_all[r, pl.ds(o, 16)] = base + _SH + iota
        sidx_all[r, pl.ds(o, 16)] = base + iota

    @plsc.parallel_loop(0, 32)
    def tfill(t):
        tidx_all[t // 8, pl.ds((t % 8) * 16, 16)] = (
            (coff + t * 16 + iota) * _RPC + _SH + blk)

    def cache_fire_gather(k):
        return pltpu.async_copy(
            cache_hbm.at[gidx_all.at[k]], cbuf[k % 2], cgsem)

    h_cg = [None] * _NCCH
    h_cs = [None] * _NCCH
    h_cg[0] = cache_fire_gather(0)
    h_emb[1] = pltpu.async_copy(
        emb_hbm.at[idx_v, pl.ds(coff + _CHALF // 2, _CHALF // 2)],
        rows_b, gsem)

    def do_cache_step(k):
        h_cg[k].wait()
        h_cs[k] = pltpu.async_copy(
            cbuf[k % 2], out_hbm.at[sidx_all.at[k]], cssem)
        if k + 1 < _NCCH:
            if k >= 1:
                h_cs[k - 1].wait()
            h_cg[k + 1] = cache_fire_gather(k + 1)

    do_cache_step(0)

    cache_sched = {0: (1,), 1: (2, 3), 2: (4, 5), 3: (6, 7)}

    h_ts = [None] * 4
    for q in range(4):
        s = q % 2
        if q in (0, 2):
            h_emb[q // 2].wait()
        if q >= 2:
            h_ts[q - 2].wait()

        @plsc.parallel_loop(0, 128)
        def tq(t, q=q, s=s):
            j_idx = jnp.bitwise_and(t, -16) + jnp.bitwise_and(iota + t, 15)
            for ct in range(8):
                c_idx = ct * 16 + iota
                vals = plsc.load_gather(
                    rows[q // 2], [j_idx, (q % 2) * 128 + c_idx])
                plsc.store_scatter(trans[s], [c_idx, j_idx], vals)

        h_ts[q] = pltpu.async_copy(trans[s], out_hbm.at[tidx_all.at[q]], tsem)

        for k in cache_sched[q]:
            do_cache_step(k)

    h_ts[2].wait()
    h_ts[3].wait()
    h_cs[_NCCH - 2].wait()
    h_cs[_NCCH - 1].wait()


@jax.jit
def _net(x_flat, cache2d, emb):
    mesh = plsc.VectorSubcoreMesh(core_axis_name="c", subcore_axis_name="s")
    return pl.kernel(
        _body,
        out_type=jax.ShapeDtypeStruct((_C * _L // 128, 128), jnp.float32),
        mesh=mesh,
        compiler_params=pltpu.CompilerParams(needs_layout_passes=False),
        scratch_types=[
            pltpu.VMEM((_IPB,), jnp.int32),
            pltpu.VMEM((_IPB, _CHALF // 2), jnp.float32),
            pltpu.VMEM((_IPB, _CHALF // 2), jnp.float32),
            pltpu.VMEM((128, 128), jnp.float32),
            pltpu.VMEM((128, 128), jnp.float32),
            pltpu.VMEM((64, 128), jnp.float32),
            pltpu.VMEM((64, 128), jnp.float32),
            pltpu.VMEM((4, 128), jnp.int32),
            pltpu.VMEM((_NCCH, 64), jnp.int32),
            pltpu.VMEM((_NCCH, 64), jnp.int32),
            pltpu.SemaphoreType.DMA,
            pltpu.SemaphoreType.DMA,
            pltpu.SemaphoreType.DMA,
            pltpu.SemaphoreType.DMA,
        ],
    )(x_flat, cache2d, emb)


def kernel(x, cache, emb):
    out2d = _net(x.reshape(_S), cache.reshape(_C * _L // 128, 128), emb)
    return out2d.reshape(1, _C, 1, _L)

# --- scband reference (transcript-rebuilt; emitter-appended) ---
"""Pipeline reference for scband-net-49761491091902 (READ-ONLY COPY).

The authoritative reference and input builder live on the scoring server;
editing this copy changes nothing except your own understanding.
"""

import jax, jax.numpy as jnp
import numpy as np

V = 10000
C = 1024
S = 2048
L = 4096

def setup_inputs(seed: int = 0) -> dict:
    key = jax.random.key(seed)
    k1, k2, k3 = jax.random.split(key, 3)
    x = jax.random.randint(k1, (1, S), 0, V, dtype=jnp.int32)
    cache = jax.random.normal(k2, (1, C, 1, L), dtype=jnp.float32)
    emb = jax.random.normal(k3, (V, C), dtype=jnp.float32) * 0.02
    return {"x": x, "cache": cache, "emb": emb}

def reference(x, cache, emb):
    # nn.Embedding lookup: [1, S] -> [1, S, C]
    e = jnp.take(emb, x, axis=0)
    # transpose(1, 2): [1, C, S]
    e = jnp.transpose(e, (0, 2, 1))
    # unsqueeze(-2): [1, C, 1, S]
    e = e[:, :, None, :]
    # cat along last dim: [1, C, 1, L + S]
    q = jnp.concatenate([cache, e], axis=-1)
    # drop first S entries: [1, C, 1, L]
    q = q[..., S:]
    return q

if __name__ == "__main__":
    import jax
    _d = setup_inputs()
    print(jax.jit(kernel)(*tuple(_d.values())))

</pallas_src>

<mosaic_0001>
#map = affine_map<(d0, d1) -> (0)>
#map1 = affine_map<(d0, d1) -> (0, 0)>
module attributes {stable_mosaic.version = 14 : i64} {
  func.func @_body(%arg0: i32, %arg1: i32, %arg2: memref<2048xi32, #tpu.memory_space<hbm>>, %arg3: memref<32768x128xf32, #tpu.memory_space<hbm>>, %arg4: memref<10000x1024xf32, #tpu.memory_space<hbm>>, %arg5: memref<32768x128xf32, #tpu.memory_space<hbm>>, %arg6: memref<128xi32, #tpu.memory_space<vmem>>, %arg7: memref<128x256xf32, #tpu.memory_space<vmem>>, %arg8: memref<128x256xf32, #tpu.memory_space<vmem>>, %arg9: memref<128x128xf32, #tpu.memory_space<vmem>>, %arg10: memref<128x128xf32, #tpu.memory_space<vmem>>, %arg11: memref<64x128xf32, #tpu.memory_space<vmem>>, %arg12: memref<64x128xf32, #tpu.memory_space<vmem>>, %arg13: memref<4x128xi32, #tpu.memory_space<vmem>>, %arg14: memref<8x64xi32, #tpu.memory_space<vmem>>, %arg15: memref<8x64xi32, #tpu.memory_space<vmem>>, %arg16: memref<!tpu.dma_semaphore, #tpu.memory_space<semaphore_mem>>, %arg17: memref<!tpu.dma_semaphore, #tpu.memory_space<semaphore_mem>>, %arg18: memref<!tpu.dma_semaphore, #tpu.memory_space<semaphore_mem>>, %arg19: memref<!tpu.dma_semaphore, #tpu.memory_space<semaphore_mem>>) attributes {dimension_semantics = [#tpu.dimension_semantics<core_parallel>, #tpu.dimension_semantics<subcore_parallel>], iteration_bounds = array<i64: 2, 16>, scalar_prefetch = 0 : i64, scratch_operands = 14 : i64, tpu.core_type = #tpu.core_type<sc_vector_subcore>, window_params = [{transform_indices = #map}, {transform_indices = #map1}, {transform_indices = #map1}, {transform_indices = #map1}]} {
    %mul3A = arith.constant 2 : i32
    %mul3A_0 = arith.muli %arg1, %mul3A : i32
    %add3A = arith.addi %mul3A_0, %arg0 : i32
    %jit3A = arith.constant 2 : i32
    %div3A = arith.divsi %add3A, %jit3A : i32
    %sign3A = arith.constant 0 : i32
    %sign3A_1 = arith.cmpi sgt, %add3A, %sign3A : i32
    %sign3A_2 = arith.extui %sign3A_1 : i1 to i32
    %sign3A_3 = arith.constant 0 : i32
    %sign3A_4 = arith.cmpi slt, %add3A, %sign3A_3 : i32
    %sign3A_5 = arith.extui %sign3A_4 : i1 to i32
    %sign3A_6 = arith.subi %sign3A_2, %sign3A_5 : i32
    %sign3A_7 = arith.constant 0 : i32
    %sign3A_8 = arith.cmpi sgt, %jit3A, %sign3A_7 : i32
    %sign3A_9 = arith.extui %sign3A_8 : i1 to i32
    %sign3A_10 = arith.constant 0 : i32
    %sign3A_11 = arith.cmpi slt, %jit3A, %sign3A_10 : i32
    %sign3A_12 = arith.extui %sign3A_11 : i1 to i32
    %sign3A_13 = arith.subi %sign3A_9, %sign3A_12 : i32
    %ne3A = arith.cmpi ne, %sign3A_6, %sign3A_13 : i32
    %rem3A = arith.remsi %add3A, %jit3A : i32
    %ne3A_14 = arith.constant 0 : i32
    %ne3A_15 = arith.cmpi ne, %rem3A, %ne3A_14 : i32
    %and3A = arith.andi %ne3A, %ne3A_15 : i1
    %sub3A = arith.constant 1 : i32
    %sub3A_16 = arith.subi %div3A, %sub3A : i32
    %select_n3A = arith.select %and3A, %sub3A_16, %div3A : i32
    %jit3A_17 = arith.constant 2 : i32
    %eq3A = arith.constant 0 : i32
    %eq3A_18 = arith.cmpi eq, %jit3A_17, %eq3A : i32
    %jit3A_19 = arith.constant 1 : i32
    %select_n3A_20 = arith.select %eq3A_18, %jit3A_19, %jit3A_17 : i32
    %rem3A_21 = arith.remsi %add3A, %select_n3A_20 : i32
    %ne3A_22 = arith.constant 0 : i32
    %ne3A_23 = arith.cmpi ne, %rem3A_21, %ne3A_22 : i32
    %lt3A = arith.constant 0 : i32
    %lt3A_24 = arith.cmpi slt, %rem3A_21, %lt3A : i32
    %lt3A_25 = arith.constant 0 : i32
    %lt3A_26 = arith.cmpi slt, %select_n3A_20, %lt3A_25 : i32
    %ne3A_27 = arith.xori %lt3A_24, %lt3A_26 : i1
    %and3A_28 = arith.andi %ne3A_27, %ne3A_23 : i1
    %add3A_29 = arith.addi %rem3A_21, %select_n3A_20 : i32
    %select_n3A_30 = arith.select %and3A_28, %add3A_29, %rem3A_21 : i32
    %mul3A_31 = arith.constant 512 : i32
    %mul3A_32 = arith.muli %select_n3A_30, %mul3A_31 : i32
    %mul3A_33 = arith.constant 32 : i32
    %mul3A_34 = arith.muli %add3A, %mul3A_33 : i32
    %iota3A = tpu.iota {dimensions = array<i32: 0>} : vector<16xi32>
    %mul3A_35 = arith.constant 128 : i32
    %mul3A_36 = arith.muli %select_n3A, %mul3A_35 : i32
    "tpu.region"() ({
      %run_scoped3A = tpu.sem_alloc : memref<!tpu.dma_semaphore, #tpu.memory_space<semaphore_mem>>
      %dma_start3A_342 = tpu.memref_slice %arg2[%mul3A_36] : memref<2048xi32, #tpu.memory_space<hbm>> -> memref<128xi32, #tpu.memory_space<hbm>>
      %dma_start3A_343 = tpu.memref_slice %arg2[%mul3A_36] : memref<2048xi32, #tpu.memory_space<hbm>> -> memref<128xi32, #tpu.memory_space<hbm>>
      tpu.enqueue_dma source(%dma_start3A_343 : memref<128xi32, #tpu.memory_space<hbm>>) target(%arg6 : memref<128xi32, #tpu.memory_space<vmem>>) target_semaphore(%run_scoped3A : memref<!tpu.dma_semaphore, #tpu.memory_space<semaphore_mem>>)
      %dma_wait3A_344 = tpu.memref_slice %arg2[%mul3A_36] : memref<2048xi32, #tpu.memory_space<hbm>> -> memref<128xi32, #tpu.memory_space<hbm>>
      %dma_wait3A_345 = tpu.memref_slice %arg2[%mul3A_36] : memref<2048xi32, #tpu.memory_space<hbm>> -> memref<128xi32, #tpu.memory_space<hbm>>
      tpu.wait_dma2 semaphore(%run_scoped3A : memref<!tpu.dma_semaphore, #tpu.memory_space<semaphore_mem>>) src(%dma_wait3A_345 : memref<128xi32, #tpu.memory_space<hbm>>) dst(%arg6 : memref<128xi32, #tpu.memory_space<vmem>>)
      tpu.yield
    }) : () -> ()
    %dma_start3A = arith.constant 0 : i32
    %dma_start3A_37 = tpu.memref_slice %arg4[%dma_start3A, %mul3A_32] : memref<10000x1024xf32, #tpu.memory_space<hbm>> -> memref<10000x256xf32, #tpu.memory_space<hbm>>
    tpu.enqueue_indirect_dma source(%dma_start3A_37 : memref<10000x256xf32, #tpu.memory_space<hbm>>) target(%arg7 : memref<128x256xf32, #tpu.memory_space<vmem>>) offsets(%arg6 : memref<128xi32, #tpu.memory_space<vmem>>) semaphore(%arg16 : memref<!tpu.dma_semaphore, #tpu.memory_space<semaphore_mem>>)
    %parallel_loop3A = arith.constant 0 : i32
    %parallel_loop3A_38 = arith.constant 32 : i32
    %parallel_loop3A_39 = arith.constant 1 : i32
    scf.for %parallel_loop3A_342 = %parallel_loop3A to %parallel_loop3A_38 step %parallel_loop3A_39  : i32 {
      %parallel_loop3A_343 = arith.addi %mul3A_34, %parallel_loop3A_342 : i32
      %parallel_loop3A_344 = arith.constant 32 : i32
      %parallel_loop3A_345 = arith.muli %parallel_loop3A_343, %parallel_loop3A_344 : i32
      %parallel_loop3A_346 = arith.constant 4 : i32
      %parallel_loop3A_347 = arith.divsi %parallel_loop3A_342, %parallel_loop3A_346 : i32
      %parallel_loop3A_348 = arith.constant 0 : i32
      %parallel_loop3A_349 = arith.cmpi sgt, %parallel_loop3A_342, %parallel_loop3A_348 : i32
      %parallel_loop3A_350 = arith.extui %parallel_loop3A_349 : i1 to i32
      %parallel_loop3A_351 = arith.constant 0 : i32
      %parallel_loop3A_352 = arith.cmpi slt, %parallel_loop3A_342, %parallel_loop3A_351 : i32
      %parallel_loop3A_353 = arith.extui %parallel_loop3A_352 : i1 to i32
      %parallel_loop3A_354 = arith.subi %parallel_loop3A_350, %parallel_loop3A_353 : i32
      %parallel_loop3A_355 = arith.constant 0 : i32
      %parallel_loop3A_356 = arith.cmpi sgt, %parallel_loop3A_346, %parallel_loop3A_355 : i32
      %parallel_loop3A_357 = arith.extui %parallel_loop3A_356 : i1 to i32
      %parallel_loop3A_358 = arith.constant 0 : i32
      %parallel_loop3A_359 = arith.cmpi slt, %parallel_loop3A_346, %parallel_loop3A_358 : i32
      %parallel_loop3A_360 = arith.extui %parallel_loop3A_359 : i1 to i32
      %parallel_loop3A_361 = arith.subi %parallel_loop3A_357, %parallel_loop3A_360 : i32
      %parallel_loop3A_362 = arith.cmpi ne, %parallel_loop3A_354, %parallel_loop3A_361 : i32
      %parallel_loop3A_363 = arith.remsi %parallel_loop3A_342, %parallel_loop3A_346 : i32
      %parallel_loop3A_364 = arith.constant 0 : i32
      %parallel_loop3A_365 = arith.cmpi ne, %parallel_loop3A_363, %parallel_loop3A_364 : i32
      %parallel_loop3A_366 = arith.andi %parallel_loop3A_362, %parallel_loop3A_365 : i1
      %parallel_loop3A_367 = arith.constant 1 : i32
      %parallel_loop3A_368 = arith.subi %parallel_loop3A_347, %parallel_loop3A_367 : i32
      %parallel_loop3A_369 = arith.select %parallel_loop3A_366, %parallel_loop3A_368, %parallel_loop3A_347 : i32
      %parallel_loop3A_370 = arith.constant 4 : i32
      %parallel_loop3A_371 = arith.constant 0 : i32
      %parallel_loop3A_372 = arith.cmpi eq, %parallel_loop3A_370, %parallel_loop3A_371 : i32
      %parallel_loop3A_373 = arith.constant 1 : i32
      %parallel_loop3A_374 = arith.select %parallel_loop3A_372, %parallel_loop3A_373, %parallel_loop3A_370 : i32
      %parallel_loop3A_375 = arith.remsi %parallel_loop3A_342, %parallel_loop3A_374 : i32
      %parallel_loop3A_376 = arith.constant 0 : i32
      %parallel_loop3A_377 = arith.cmpi ne, %parallel_loop3A_375, %parallel_loop3A_376 : i32
      %parallel_loop3A_378 = arith.constant 0 : i32
      %parallel_loop3A_379 = arith.cmpi slt, %parallel_loop3A_375, %parallel_loop3A_378 : i32
      %parallel_loop3A_380 = arith.constant 0 : i32
      %parallel_loop3A_381 = arith.cmpi slt, %parallel_loop3A_374, %parallel_loop3A_380 : i32
      %parallel_loop3A_382 = arith.xori %parallel_loop3A_379, %parallel_loop3A_381 : i1
      %parallel_loop3A_383 = arith.andi %parallel_loop3A_382, %parallel_loop3A_377 : i1
      %parallel_loop3A_384 = arith.addi %parallel_loop3A_375, %parallel_loop3A_374 : i32
      %parallel_loop3A_385 = arith.select %parallel_loop3A_383, %parallel_loop3A_384, %parallel_loop3A_375 : i32
      %parallel_loop3A_386 = arith.constant 16 : i32
      %parallel_loop3A_387 = arith.muli %parallel_loop3A_385, %parallel_loop3A_386 : i32
      %parallel_loop3A_388 = arith.constant 16 : i32
      %parallel_loop3A_389 = arith.addi %parallel_loop3A_345, %parallel_loop3A_388 : i32
      %parallel_loop3A_390 = vector.broadcast %parallel_loop3A_389 : i32 to vector<16xi32>
      %parallel_loop3A_391 = arith.addi %parallel_loop3A_390, %iota3A : vector<16xi32>
      %parallel_loop3A_392 = arith.index_cast %parallel_loop3A_369 : i32 to index
      %parallel_loop3A_393 = arith.index_cast %parallel_loop3A_387 : i32 to index
      %parallel_loop3A_394 = tpu.vector_load %arg14[%parallel_loop3A_392, %parallel_loop3A_393] {strides = array<i32>} : memref<8x64xi32, #tpu.memory_space<vmem>>, vector<16xi32>,
      tpu.vector_store %arg14[%parallel_loop3A_392, %parallel_loop3A_393], %parallel_loop3A_391 {strides = array<i32>} : memref<8x64xi32, #tpu.memory_space<vmem>>, vector<16xi32>,
      %parallel_loop3A_395 = vector.broadcast %parallel_loop3A_345 : i32 to vector<16xi32>
      %parallel_loop3A_396 = arith.addi %parallel_loop3A_395, %iota3A : vector<16xi32>
      %parallel_loop3A_397 = arith.index_cast %parallel_loop3A_369 : i32 to index
      %parallel_loop3A_398 = arith.index_cast %parallel_loop3A_387 : i32 to index
      %parallel_loop3A_399 = tpu.vector_load %arg15[%parallel_loop3A_397, %parallel_loop3A_398] {strides = array<i32>} : memref<8x64xi32, #tpu.memory_space<vmem>>, vector<16xi32>,
      tpu.vector_store %arg15[%parallel_loop3A_397, %parallel_loop3A_398], %parallel_loop3A_396 {strides = array<i32>} : memref<8x64xi32, #tpu.memory_space<vmem>>, vector<16xi32>,
    } {sc.loop_unroll_factor = 1 : i64, sc.parallel_access}
    %parallel_loop3A_40 = arith.constant 0 : i32
    %parallel_loop3A_41 = arith.constant 32 : i32
    %parallel_loop3A_42 = arith.constant 1 : i32
    scf.for %parallel_loop3A_342 = %parallel_loop3A_40 to %parallel_loop3A_41 step %parallel_loop3A_42  : i32 {
      %parallel_loop3A_343 = arith.constant 16 : i32
      %parallel_loop3A_344 = arith.muli %parallel_loop3A_342, %parallel_loop3A_343 : i32
      %parallel_loop3A_345 = arith.addi %mul3A_32, %parallel_loop3A_344 : i32
      %parallel_loop3A_346 = vector.broadcast %parallel_loop3A_345 : i32 to vector<16xi32>
      %parallel_loop3A_347 = arith.addi %parallel_loop3A_346, %iota3A : vector<16xi32>
      %parallel_loop3A_348 = arith.constant 32 : i32
      %parallel_loop3A_349 = vector.broadcast %parallel_loop3A_348 : i32 to vector<16xi32>
      %parallel_loop3A_350 = arith.muli %parallel_loop3A_347, %parallel_loop3A_349 : vector<16xi32>
      %parallel_loop3A_351 = arith.constant 16 : i32
      %parallel_loop3A_352 = vector.broadcast %parallel_loop3A_351 : i32 to vector<16xi32>
      %parallel_loop3A_353 = arith.addi %parallel_loop3A_350, %parallel_loop3A_352 : vector<16xi32>
      %parallel_loop3A_354 = vector.broadcast %select_n3A : i32 to vector<16xi32>
      %parallel_loop3A_355 = arith.addi %parallel_loop3A_353, %parallel_loop3A_354 : vector<16xi32>
      %parallel_loop3A_356 = arith.constant 8 : i32
      %parallel_loop3A_357 = arith.divsi %parallel_loop3A_342, %parallel_loop3A_356 : i32
      %parallel_loop3A_358 = arith.constant 0 : i32
      %parallel_loop3A_359 = arith.cmpi sgt, %parallel_loop3A_342, %parallel_loop3A_358 : i32
      %parallel_loop3A_360 = arith.extui %parallel_loop3A_359 : i1 to i32
      %parallel_loop3A_361 = arith.constant 0 : i32
      %parallel_loop3A_362 = arith.cmpi slt, %parallel_loop3A_342, %parallel_loop3A_361 : i32
      %parallel_loop3A_363 = arith.extui %parallel_loop3A_362 : i1 to i32
      %parallel_loop3A_364 = arith.subi %parallel_loop3A_360, %parallel_loop3A_363 : i32
      %parallel_loop3A_365 = arith.constant 0 : i32
      %parallel_loop3A_366 = arith.cmpi sgt, %parallel_loop3A_356, %parallel_loop3A_365 : i32
      %parallel_loop3A_367 = arith.extui %parallel_loop3A_366 : i1 to i32
      %parallel_loop3A_368 = arith.constant 0 : i32
      %parallel_loop3A_369 = arith.cmpi slt, %parallel_loop3A_356, %parallel_loop3A_368 : i32
      %parallel_loop3A_370 = arith.extui %parallel_loop3A_369 : i1 to i32
      %parallel_loop3A_371 = arith.subi %parallel_loop3A_367, %parallel_loop3A_370 : i32
      %parallel_loop3A_372 = arith.cmpi ne, %parallel_loop3A_364, %parallel_loop3A_371 : i32
      %parallel_loop3A_373 = arith.remsi %parallel_loop3A_342, %parallel_loop3A_356 : i32
      %parallel_loop3A_374 = arith.constant 0 : i32
      %parallel_loop3A_375 = arith.cmpi ne, %parallel_loop3A_373, %parallel_loop3A_374 : i32
      %parallel_loop3A_376 = arith.andi %parallel_loop3A_372, %parallel_loop3A_375 : i1
      %parallel_loop3A_377 = arith.constant 1 : i32
      %parallel_loop3A_378 = arith.subi %parallel_loop3A_357, %parallel_loop3A_377 : i32
      %parallel_loop3A_379 = arith.select %parallel_loop3A_376, %parallel_loop3A_378, %parallel_loop3A_357 : i32
      %parallel_loop3A_380 = arith.constant 8 : i32
      %parallel_loop3A_381 = arith.constant 0 : i32
      %parallel_loop3A_382 = arith.cmpi eq, %parallel_loop3A_380, %parallel_loop3A_381 : i32
      %parallel_loop3A_383 = arith.constant 1 : i32
      %parallel_loop3A_384 = arith.select %parallel_loop3A_382, %parallel_loop3A_383, %parallel_loop3A_380 : i32
      %parallel_loop3A_385 = arith.remsi %parallel_loop3A_342, %parallel_loop3A_384 : i32
      %parallel_loop3A_386 = arith.constant 0 : i32
      %parallel_loop3A_387 = arith.cmpi ne, %parallel_loop3A_385, %parallel_loop3A_386 : i32
      %parallel_loop3A_388 = arith.constant 0 : i32
      %parallel_loop3A_389 = arith.cmpi slt, %parallel_loop3A_385, %parallel_loop3A_388 : i32
      %parallel_loop3A_390 = arith.constant 0 : i32
      %parallel_loop3A_391 = arith.cmpi slt, %parallel_loop3A_384, %parallel_loop3A_390 : i32
      %parallel_loop3A_392 = arith.xori %parallel_loop3A_389, %parallel_loop3A_391 : i1
      %parallel_loop3A_393 = arith.andi %parallel_loop3A_392, %parallel_loop3A_387 : i1
      %parallel_loop3A_394 = arith.addi %parallel_loop3A_385, %parallel_loop3A_384 : i32
      %parallel_loop3A_395 = arith.select %parallel_loop3A_393, %parallel_loop3A_394, %parallel_loop3A_385 : i32
      %parallel_loop3A_396 = arith.constant 16 : i32
      %parallel_loop3A_397 = arith.muli %parallel_loop3A_395, %parallel_loop3A_396 : i32
      %parallel_loop3A_398 = arith.index_cast %parallel_loop3A_379 : i32 to index
      %parallel_loop3A_399 = arith.index_cast %parallel_loop3A_397 : i32 to index
      %parallel_loop3A_400 = tpu.vector_load %arg13[%parallel_loop3A_398, %parallel_loop3A_399] {strides = array<i32>} : memref<4x128xi32, #tpu.memory_space<vmem>>, vector<16xi32>,
      tpu.vector_store %arg13[%parallel_loop3A_398, %parallel_loop3A_399], %parallel_loop3A_355 {strides = array<i32>} : memref<4x128xi32, #tpu.memory_space<vmem>>, vector<16xi32>,
    } {sc.loop_unroll_factor = 1 : i64, sc.parallel_access}
    %dma_start3A_43 = arith.constant 0 : i32
    %dma_start3A_44 = arith.constant 0 : i32
    %dma_start3A_45 = tpu.memref_slice %arg14[%dma_start3A_43, %dma_start3A_44] : memref<8x64xi32, #tpu.memory_space<vmem>> -> memref<1x64xi32, #tpu.memory_space<vmem>>
    %dma_start3A_46 = tpu.memref_squeeze %dma_start3A_45 : memref<1x64xi32, #tpu.memory_space<vmem>> -> memref<64xi32, #tpu.memory_space<vmem>>
    %dma_start3A_47 = arith.constant 0 : i32
    %dma_start3A_48 = arith.constant 0 : i32
    %dma_start3A_49 = tpu.memref_slice %arg3[%dma_start3A_47, %dma_start3A_48] : memref<32768x128xf32, #tpu.memory_space<hbm>> -> memref<32768x128xf32, #tpu.memory_space<hbm>>
    tpu.enqueue_indirect_dma source(%dma_start3A_49 : memref<32768x128xf32, #tpu.memory_space<hbm>>) target(%arg11 : memref<64x128xf32, #tpu.memory_space<vmem>>) offsets(%dma_start3A_46 : memref<64xi32, #tpu.memory_space<vmem>>) semaphore(%arg18 : memref<!tpu.dma_semaphore, #tpu.memory_space<semaphore_mem>>)
    %add3A_50 = arith.constant 256 : i32
    %add3A_51 = arith.addi %mul3A_32, %add3A_50 : i32
    %dma_start3A_52 = arith.constant 0 : i32
    %dma_start3A_53 = tpu.memref_slice %arg4[%dma_start3A_52, %add3A_51] : memref<10000x1024xf32, #tpu.memory_space<hbm>> -> memref<10000x256xf32, #tpu.memory_space<hbm>>
    tpu.enqueue_indirect_dma source(%dma_start3A_53 : memref<10000x256xf32, #tpu.memory_space<hbm>>) target(%arg8 : memref<128x256xf32, #tpu.memory_space<vmem>>) offsets(%arg6 : memref<128xi32, #tpu.memory_space<vmem>>) semaphore(%arg16 : memref<!tpu.dma_semaphore, #tpu.memory_space<semaphore_mem>>)
    %dma_wait3A = arith.constant 0 : i32
    %dma_wait3A_54 = arith.constant 0 : i32
    %dma_wait3A_55 = tpu.memref_slice %arg14[%dma_wait3A, %dma_wait3A_54] : memref<8x64xi32, #tpu.memory_space<vmem>> -> memref<1x64xi32, #tpu.memory_space<vmem>>
    %dma_wait3A_56 = tpu.memref_squeeze %dma_wait3A_55 : memref<1x64xi32, #tpu.memory_space<vmem>> -> memref<64xi32, #tpu.memory_space<vmem>>
    %dma_wait3A_57 = arith.constant 0 : i32
    %dma_wait3A_58 = arith.constant 0 : i32
    %dma_wait3A_59 = tpu.memref_slice %arg3[%dma_wait3A_57, %dma_wait3A_58] : memref<32768x128xf32, #tpu.memory_space<hbm>> -> memref<32768x128xf32, #tpu.memory_space<hbm>>
    tpu.wait_indirect_dma semaphore(%arg18 : memref<!tpu.dma_semaphore, #tpu.memory_space<semaphore_mem>>) src(%dma_wait3A_59 : memref<32768x128xf32, #tpu.memory_space<hbm>>) dst(%arg11 : memref<64x128xf32, #tpu.memory_space<vmem>>)
    %dma_start3A_60 = arith.constant 0 : i32
    %dma_start3A_61 = arith.constant 0 : i32
    %dma_start3A_62 = tpu.memref_slice %arg15[%dma_start3A_60, %dma_start3A_61] : memref<8x64xi32, #tpu.memory_space<vmem>> -> memref<1x64xi32, #tpu.memory_space<vmem>>
    %dma_start3A_63 = tpu.memref_squeeze %dma_start3A_62 : memref<1x64xi32, #tpu.memory_space<vmem>> -> memref<64xi32, #tpu.memory_space<vmem>>
    %dma_start3A_64 = arith.constant 0 : i32
    %dma_start3A_65 = arith.constant 0 : i32
    %dma_start3A_66 = tpu.memref_slice %arg5[%dma_start3A_64, %dma_start3A_65] : memref<32768x128xf32, #tpu.memory_space<hbm>> -> memref<32768x128xf32, #tpu.memory_space<hbm>>
    tpu.enqueue_indirect_dma source(%arg11 : memref<64x128xf32, #tpu.memory_space<vmem>>) target(%dma_start3A_66 : memref<32768x128xf32, #tpu.memory_space<hbm>>) offsets(%dma_start3A_63 : memref<64xi32, #tpu.memory_space<vmem>>) semaphore(%arg19 : memref<!tpu.dma_semaphore, #tpu.memory_space<semaphore_mem>>)
    %dma_start3A_67 = arith.constant 1 : i32
    %dma_start3A_68 = arith.constant 0 : i32
    %dma_start3A_69 = tpu.memref_slice %arg14[%dma_start3A_67, %dma_start3A_68] : memref<8x64xi32, #tpu.memory_space<vmem>> -> memref<1x64xi32, #tpu.memory_space<vmem>>
    %dma_start3A_70 = tpu.memref_squeeze %dma_start3A_69 : memref<1x64xi32, #tpu.memory_space<vmem>> -> memref<64xi32, #tpu.memory_space<vmem>>
    %dma_start3A_71 = arith.constant 0 : i32
    %dma_start3A_72 = arith.constant 0 : i32
    %dma_start3A_73 = tpu.memref_slice %arg3[%dma_start3A_71, %dma_start3A_72] : memref<32768x128xf32, #tpu.memory_space<hbm>> -> memref<32768x128xf32, #tpu.memory_space<hbm>>
    tpu.enqueue_indirect_dma source(%dma_start3A_73 : memref<32768x128xf32, #tpu.memory_space<hbm>>) target(%arg12 : memref<64x128xf32, #tpu.memory_space<vmem>>) offsets(%dma_start3A_70 : memref<64xi32, #tpu.memory_space<vmem>>) semaphore(%arg18 : memref<!tpu.dma_semaphore, #tpu.memory_space<semaphore_mem>>)
    %dma_wait3A_74 = arith.constant 0 : i32
    %dma_wait3A_75 = tpu.memref_slice %arg4[%dma_wait3A_74, %mul3A_32] : memref<10000x1024xf32, #tpu.memory_space<hbm>> -> memref<10000x256xf32, #tpu.memory_space<hbm>>
    tpu.wait_indirect_dma semaphore(%arg16 : memref<!tpu.dma_semaphore, #tpu.memory_space<semaphore_mem>>) src(%dma_wait3A_75 : memref<10000x256xf32, #tpu.memory_space<hbm>>) dst(%arg7 : memref<128x256xf32, #tpu.memory_space<vmem>>)
    %parallel_loop3A_76 = arith.constant 0 : i32
    %parallel_loop3A_77 = arith.constant 128 : i32
    %parallel_loop3A_78 = arith.constant 1 : i32
    scf.for %parallel_loop3A_342 = %parallel_loop3A_76 to %parallel_loop3A_77 step %parallel_loop3A_78  : i32 {
      %parallel_loop3A_343 = arith.constant -16 : i32
      %parallel_loop3A_344 = arith.andi %parallel_loop3A_342, %parallel_loop3A_343 : i32
      %parallel_loop3A_345 = vector.broadcast %parallel_loop3A_342 : i32 to vector<16xi32>
      %parallel_loop3A_346 = arith.addi %iota3A, %parallel_loop3A_345 : vector<16xi32>
      %parallel_loop3A_347 = arith.constant 15 : i32
      %parallel_loop3A_348 = vector.broadcast %parallel_loop3A_347 : i32 to vector<16xi32>
      %parallel_loop3A_349 = arith.andi %parallel_loop3A_346, %parallel_loop3A_348 : vector<16xi32>
      %parallel_loop3A_350 = vector.broadcast %parallel_loop3A_344 : i32 to vector<16xi32>
      %parallel_loop3A_351 = arith.addi %parallel_loop3A_350, %parallel_loop3A_349 : vector<16xi32>
      %parallel_loop3A_352 = arith.constant 0 : i32
      %parallel_loop3A_353 = vector.broadcast %parallel_loop3A_352 : i32 to vector<16xi32>
      %parallel_loop3A_354 = arith.addi %parallel_loop3A_353, %iota3A : vector<16xi32>
      %parallel_loop3A_355 = arith.constant 0 : i32
      %parallel_loop3A_356 = vector.broadcast %parallel_loop3A_355 : i32 to vector<16xi32>
      %parallel_loop3A_357 = arith.addi %parallel_loop3A_356, %parallel_loop3A_354 : vector<16xi32>
      %parallel_loop3A_358 = tpu.vector_load_idx %arg7[%parallel_loop3A_351, %parallel_loop3A_357] : memref<128x256xf32, #tpu.memory_space<vmem>>[vector<16xi32>, vector<16xi32>], vector<16xf32>,
      tpu.vector_store_idx %arg9[%parallel_loop3A_354, %parallel_loop3A_351], %parallel_loop3A_358 : memref<128x128xf32, #tpu.memory_space<vmem>>[vector<16xi32>, vector<16xi32>], vector<16xf32>,
      %parallel_loop3A_359 = arith.constant 16 : i32
      %parallel_loop3A_360 = vector.broadcast %parallel_loop3A_359 : i32 to vector<16xi32>
      %parallel_loop3A_361 = arith.addi %parallel_loop3A_360, %iota3A : vector<16xi32>
      %parallel_loop3A_362 = arith.constant 0 : i32
      %parallel_loop3A_363 = vector.broadcast %parallel_loop3A_362 : i32 to vector<16xi32>
      %parallel_loop3A_364 = arith.addi %parallel_loop3A_363, %parallel_loop3A_361 : vector<16xi32>
      %parallel_loop3A_365 = tpu.vector_load_idx %arg7[%parallel_loop3A_351, %parallel_loop3A_364] : memref<128x256xf32, #tpu.memory_space<vmem>>[vector<16xi32>, vector<16xi32>], vector<16xf32>,
      tpu.vector_store_idx %arg9[%parallel_loop3A_361, %parallel_loop3A_351], %parallel_loop3A_365 : memref<128x128xf32, #tpu.memory_space<vmem>>[vector<16xi32>, vector<16xi32>], vector<16xf32>,
      %parallel_loop3A_366 = arith.constant 32 : i32
      %parallel_loop3A_367 = vector.broadcast %parallel_loop3A_366 : i32 to vector<16xi32>
      %parallel_loop3A_368 = arith.addi %parallel_loop3A_367, %iota3A : vector<16xi32>
      %parallel_loop3A_369 = arith.constant 0 : i32
      %parallel_loop3A_370 = vector.broadcast %parallel_loop3A_369 : i32 to vector<16xi32>
      %parallel_loop3A_371 = arith.addi %parallel_loop3A_370, %parallel_loop3A_368 : vector<16xi32>
      %parallel_loop3A_372 = tpu.vector_load_idx %arg7[%parallel_loop3A_351, %parallel_loop3A_371] : memref<128x256xf32, #tpu.memory_space<vmem>>[vector<16xi32>, vector<16xi32>], vector<16xf32>,
      tpu.vector_store_idx %arg9[%parallel_loop3A_368, %parallel_loop3A_351], %parallel_loop3A_372 : memref<128x128xf32, #tpu.memory_space<vmem>>[vector<16xi32>, vector<16xi32>], vector<16xf32>,
      %parallel_loop3A_373 = arith.constant 48 : i32
      %parallel_loop3A_374 = vector.broadcast %parallel_loop3A_373 : i32 to vector<16xi32>
      %parallel_loop3A_375 = arith.addi %parallel_loop3A_374, %iota3A : vector<16xi32>
      %parallel_loop3A_376 = arith.constant 0 : i32
      %parallel_loop3A_377 = vector.broadcast %parallel_loop3A_376 : i32 to vector<16xi32>
      %parallel_loop3A_378 = arith.addi %parallel_loop3A_377, %parallel_loop3A_375 : vector<16xi32>
      %parallel_loop3A_379 = tpu.vector_load_idx %arg7[%parallel_loop3A_351, %parallel_loop3A_378] : memref<128x256xf32, #tpu.memory_space<vmem>>[vector<16xi32>, vector<16xi32>], vector<16xf32>,
      tpu.vector_store_idx %arg9[%parallel_loop3A_375, %parallel_loop3A_351], %parallel_loop3A_379 : memref<128x128xf32, #tpu.memory_space<vmem>>[vector<16xi32>, vector<16xi32>], vector<16xf32>,
      %parallel_loop3A_380 = arith.constant 64 : i32
      %parallel_loop3A_381 = vector.broadcast %parallel_loop3A_380 : i32 to vector<16xi32>
      %parallel_loop3A_382 = arith.addi %parallel_loop3A_381, %iota3A : vector<16xi32>
      %parallel_loop3A_383 = arith.constant 0 : i32
      %parallel_loop3A_384 = vector.broadcast %parallel_loop3A_383 : i32 to vector<16xi32>
      %parallel_loop3A_385 = arith.addi %parallel_loop3A_384, %parallel_loop3A_382 : vector<16xi32>
      %parallel_loop3A_386 = tpu.vector_load_idx %arg7[%parallel_loop3A_351, %parallel_loop3A_385] : memref<128x256xf32, #tpu.memory_space<vmem>>[vector<16xi32>, vector<16xi32>], vector<16xf32>,
      tpu.vector_store_idx %arg9[%parallel_loop3A_382, %parallel_loop3A_351], %parallel_loop3A_386 : memref<128x128xf32, #tpu.memory_space<vmem>>[vector<16xi32>, vector<16xi32>], vector<16xf32>,
      %parallel_loop3A_387 = arith.constant 80 : i32
      %parallel_loop3A_388 = vector.broadcast %parallel_loop3A_387 : i32 to vector<16xi32>
      %parallel_loop3A_389 = arith.addi %parallel_loop3A_388, %iota3A : vector<16xi32>
      %parallel_loop3A_390 = arith.constant 0 : i32
      %parallel_loop3A_391 = vector.broadcast %parallel_loop3A_390 : i32 to vector<16xi32>
      %parallel_loop3A_392 = arith.addi %parallel_loop3A_391, %parallel_loop3A_389 : vector<16xi32>
      %parallel_loop3A_393 = tpu.vector_load_idx %arg7[%parallel_loop3A_351, %parallel_loop3A_392] : memref<128x256xf32, #tpu.memory_space<vmem>>[vector<16xi32>, vector<16xi32>], vector<16xf32>,
      tpu.vector_store_idx %arg9[%parallel_loop3A_389, %parallel_loop3A_351], %parallel_loop3A_393 : memref<128x128xf32, #tpu.memory_space<vmem>>[vector<16xi32>, vector<16xi32>], vector<16xf32>,
      %parallel_loop3A_394 = arith.constant 96 : i32
      %parallel_loop3A_395 = vector.broadcast %parallel_loop3A_394 : i32 to vector<16xi32>
      %parallel_loop3A_396 = arith.addi %parallel_loop3A_395, %iota3A : vector<16xi32>
      %parallel_loop3A_397 = arith.constant 0 : i32
      %parallel_loop3A_398 = vector.broadcast %parallel_loop3A_397 : i32 to vector<16xi32>
      %parallel_loop3A_399 = arith.addi %parallel_loop3A_398, %parallel_loop3A_396 : vector<16xi32>
      %parallel_loop3A_400 = tpu.vector_load_idx %arg7[%parallel_loop3A_351, %parallel_loop3A_399] : memref<128x256xf32, #tpu.memory_space<vmem>>[vector<16xi32>, vector<16xi32>], vector<16xf32>,
      tpu.vector_store_idx %arg9[%parallel_loop3A_396, %parallel_loop3A_351], %parallel_loop3A_400 : memref<128x128xf32, #tpu.memory_space<vmem>>[vector<16xi32>, vector<16xi32>], vector<16xf32>,
      %parallel_loop3A_401 = arith.constant 112 : i32
      %parallel_loop3A_402 = vector.broadcast %parallel_loop3A_401 : i32 to vector<16xi32>
      %parallel_loop3A_403 = arith.addi %parallel_loop3A_402, %iota3A : vector<16xi32>
      %parallel_loop3A_404 = arith.constant 0 : i32
      %parallel_loop3A_405 = vector.broadcast %parallel_loop3A_404 : i32 to vector<16xi32>
      %parallel_loop3A_406 = arith.addi %parallel_loop3A_405, %parallel_loop3A_403 : vector<16xi32>
      %parallel_loop3A_407 = tpu.vector_load_idx %arg7[%parallel_loop3A_351, %parallel_loop3A_406] : memref<128x256xf32, #tpu.memory_space<vmem>>[vector<16xi32>, vector<16xi32>], vector<16xf32>,
      tpu.vector_store_idx %arg9[%parallel_loop3A_403, %parallel_loop3A_351], %parallel_loop3A_407 : memref<128x128xf32, #tpu.memory_space<vmem>>[vector<16xi32>, vector<16xi32>], vector<16xf32>,
    } {sc.loop_unroll_factor = 1 : i64, sc.parallel_access}
    %dma_start3A_79 = arith.constant 0 : i32
    %dma_start3A_80 = arith.constant 0 : i32
    %dma_start3A_81 = tpu.memref_slice %arg13[%dma_start3A_79, %dma_start3A_80] : memref<4x128xi32, #tpu.memory_space<vmem>> -> memref<1x128xi32, #tpu.memory_space<vmem>>
    %dma_start3A_82 = tpu.memref_squeeze %dma_start3A_81 : memref<1x128xi32, #tpu.memory_space<vmem>> -> memref<128xi32, #tpu.memory_space<vmem>>
    %dma_start3A_83 = arith.constant 0 : i32
    %dma_start3A_84 = arith.constant 0 : i32
    %dma_start3A_85 = tpu.memref_slice %arg5[%dma_start3A_83, %dma_start3A_84] : memref<32768x128xf32, #tpu.memory_space<hbm>> -> memref<32768x128xf32, #tpu.memory_space<hbm>>
    tpu.enqueue_indirect_dma source(%arg9 : memref<128x128xf32, #tpu.memory_space<vmem>>) target(%dma_start3A_85 : memref<32768x128xf32, #tpu.memory_space<hbm>>) offsets(%dma_start3A_82 : memref<128xi32, #tpu.memory_space<vmem>>) semaphore(%arg17 : memref<!tpu.dma_semaphore, #tpu.memory_space<semaphore_mem>>)
    %dma_wait3A_86 = arith.constant 1 : i32
    %dma_wait3A_87 = arith.constant 0 : i32
    %dma_wait3A_88 = tpu.memref_slice %arg14[%dma_wait3A_86, %dma_wait3A_87] : memref<8x64xi32, #tpu.memory_space<vmem>> -> memref<1x64xi32, #tpu.memory_space<vmem>>
    %dma_wait3A_89 = tpu.memref_squeeze %dma_wait3A_88 : memref<1x64xi32, #tpu.memory_space<vmem>> -> memref<64xi32, #tpu.memory_space<vmem>>
    %dma_wait3A_90 = arith.constant 0 : i32
    %dma_wait3A_91 = arith.constant 0 : i32
    %dma_wait3A_92 = tpu.memref_slice %arg3[%dma_wait3A_90, %dma_wait3A_91] : memref<32768x128xf32, #tpu.memory_space<hbm>> -> memref<32768x128xf32, #tpu.memory_space<hbm>>
    tpu.wait_indirect_dma semaphore(%arg18 : memref<!tpu.dma_semaphore, #tpu.memory_space<semaphore_mem>>) src(%dma_wait3A_92 : memref<32768x128xf32, #tpu.memory_space<hbm>>) dst(%arg12 : memref<64x128xf32, #tpu.memory_space<vmem>>)
    %dma_start3A_93 = arith.constant 1 : i32
    %dma_start3A_94 = arith.constant 0 : i32
    %dma_start3A_95 = tpu.memref_slice %arg15[%dma_start3A_93, %dma_start3A_94] : memref<8x64xi32, #tpu.memory_space<vmem>> -> memref<1x64xi32, #tpu.memory_space<vmem>>
    %dma_start3A_96 = tpu.memref_squeeze %dma_start3A_95 : memref<1x64xi32, #tpu.memory_space<vmem>> -> memref<64xi32, #tpu.memory_space<vmem>>
    %dma_start3A_97 = arith.constant 0 : i32
    %dma_start3A_98 = arith.constant 0 : i32
    %dma_start3A_99 = tpu.memref_slice %arg5[%dma_start3A_97, %dma_start3A_98] : memref<32768x128xf32, #tpu.memory_space<hbm>> -> memref<32768x128xf32, #tpu.memory_space<hbm>>
    tpu.enqueue_indirect_dma source(%arg12 : memref<64x128xf32, #tpu.memory_space<vmem>>) target(%dma_start3A_99 : memref<32768x128xf32, #tpu.memory_space<hbm>>) offsets(%dma_start3A_96 : memref<64xi32, #tpu.memory_space<vmem>>) semaphore(%arg19 : memref<!tpu.dma_semaphore, #tpu.memory_space<semaphore_mem>>)
    %dma_wait3A_100 = arith.constant 0 : i32
    %dma_wait3A_101 = arith.constant 0 : i32
    %dma_wait3A_102 = tpu.memref_slice %arg15[%dma_wait3A_100, %dma_wait3A_101] : memref<8x64xi32, #tpu.memory_space<vmem>> -> memref<1x64xi32, #tpu.memory_space<vmem>>
    %dma_wait3A_103 = tpu.memref_squeeze %dma_wait3A_102 : memref<1x64xi32, #tpu.memory_space<vmem>> -> memref<64xi32, #tpu.memory_space<vmem>>
    %dma_wait3A_104 = arith.constant 0 : i32
    %dma_wait3A_105 = arith.constant 0 : i32
    %dma_wait3A_106 = tpu.memref_slice %arg5[%dma_wait3A_104, %dma_wait3A_105] : memref<32768x128xf32, #tpu.memory_space<hbm>> -> memref<32768x128xf32, #tpu.memory_space<hbm>>
    tpu.wait_indirect_dma semaphore(%arg19 : memref<!tpu.dma_semaphore, #tpu.memory_space<semaphore_mem>>) src(%arg11 : memref<64x128xf32, #tpu.memory_space<vmem>>) dst(%dma_wait3A_106 : memref<32768x128xf32, #tpu.memory_space<hbm>>)
    %dma_start3A_107 = arith.constant 2 : i32
    %dma_start3A_108 = arith.constant 0 : i32
    %dma_start3A_109 = tpu.memref_slice %arg14[%dma_start3A_107, %dma_start3A_108] : memref<8x64xi32, #tpu.memory_space<vmem>> -> memref<1x64xi32, #tpu.memory_space<vmem>>
    %dma_start3A_110 = tpu.memref_squeeze %dma_start3A_109 : memref<1x64xi32, #tpu.memory_space<vmem>> -> memref<64xi32, #tpu.memory_space<vmem>>
    %dma_start3A_111 = arith.constant 0 : i32
    %dma_start3A_112 = arith.constant 0 : i32
    %dma_start3A_113 = tpu.memref_slice %arg3[%dma_start3A_111, %dma_start3A_112] : memref<32768x128xf32, #tpu.memory_space<hbm>> -> memref<32768x128xf32, #tpu.memory_space<hbm>>
    tpu.enqueue_indirect_dma source(%dma_start3A_113 : memref<32768x128xf32, #tpu.memory_space<hbm>>) target(%arg11 : memref<64x128xf32, #tpu.memory_space<vmem>>) offsets(%dma_start3A_110 : memref<64xi32, #tpu.memory_space<vmem>>) semaphore(%arg18 : memref<!tpu.dma_semaphore, #tpu.memory_space<semaphore_mem>>)
    %parallel_loop3A_114 = arith.constant 0 : i32
    %parallel_loop3A_115 = arith.constant 128 : i32
    %parallel_loop3A_116 = arith.constant 1 : i32
    scf.for %parallel_loop3A_342 = %parallel_loop3A_114 to %parallel_loop3A_115 step %parallel_loop3A_116  : i32 {
      %parallel_loop3A_343 = arith.constant -16 : i32
      %parallel_loop3A_344 = arith.andi %parallel_loop3A_342, %parallel_loop3A_343 : i32
      %parallel_loop3A_345 = vector.broadcast %parallel_loop3A_342 : i32 to vector<16xi32>
      %parallel_loop3A_346 = arith.addi %iota3A, %parallel_loop3A_345 : vector<16xi32>
      %parallel_loop3A_347 = arith.constant 15 : i32
      %parallel_loop3A_348 = vector.broadcast %parallel_loop3A_347 : i32 to vector<16xi32>
      %parallel_loop3A_349 = arith.andi %parallel_loop3A_346, %parallel_loop3A_348 : vector<16xi32>
      %parallel_loop3A_350 = vector.broadcast %parallel_loop3A_344 : i32 to vector<16xi32>
      %parallel_loop3A_351 = arith.addi %parallel_loop3A_350, %parallel_loop3A_349 : vector<16xi32>
      %parallel_loop3A_352 = arith.constant 0 : i32
      %parallel_loop3A_353 = vector.broadcast %parallel_loop3A_352 : i32 to vector<16xi32>
      %parallel_loop3A_354 = arith.addi %parallel_loop3A_353, %iota3A : vector<16xi32>
      %parallel_loop3A_355 = arith.constant 128 : i32
      %parallel_loop3A_356 = vector.broadcast %parallel_loop3A_355 : i32 to vector<16xi32>
      %parallel_loop3A_357 = arith.addi %parallel_loop3A_356, %parallel_loop3A_354 : vector<16xi32>
      %parallel_loop3A_358 = tpu.vector_load_idx %arg7[%parallel_loop3A_351, %parallel_loop3A_357] : memref<128x256xf32, #tpu.memory_space<vmem>>[vector<16xi32>, vector<16xi32>], vector<16xf32>,
      tpu.vector_store_idx %arg10[%parallel_loop3A_354, %parallel_loop3A_351], %parallel_loop3A_358 : memref<128x128xf32, #tpu.memory_space<vmem>>[vector<16xi32>, vector<16xi32>], vector<16xf32>,
      %parallel_loop3A_359 = arith.constant 16 : i32
      %parallel_loop3A_360 = vector.broadcast %parallel_loop3A_359 : i32 to vector<16xi32>
      %parallel_loop3A_361 = arith.addi %parallel_loop3A_360, %iota3A : vector<16xi32>
      %parallel_loop3A_362 = arith.constant 128 : i32
      %parallel_loop3A_363 = vector.broadcast %parallel_loop3A_362 : i32 to vector<16xi32>
      %parallel_loop3A_364 = arith.addi %parallel_loop3A_363, %parallel_loop3A_361 : vector<16xi32>
      %parallel_loop3A_365 = tpu.vector_load_idx %arg7[%parallel_loop3A_351, %parallel_loop3A_364] : memref<128x256xf32, #tpu.memory_space<vmem>>[vector<16xi32>, vector<16xi32>], vector<16xf32>,
      tpu.vector_store_idx %arg10[%parallel_loop3A_361, %parallel_loop3A_351], %parallel_loop3A_365 : memref<128x128xf32, #tpu.memory_space<vmem>>[vector<16xi32>, vector<16xi32>], vector<16xf32>,
      %parallel_loop3A_366 = arith.constant 32 : i32
      %parallel_loop3A_367 = vector.broadcast %parallel_loop3A_366 : i32 to vector<16xi32>
      %parallel_loop3A_368 = arith.addi %parallel_loop3A_367, %iota3A : vector<16xi32>
      %parallel_loop3A_369 = arith.constant 128 : i32
      %parallel_loop3A_370 = vector.broadcast %parallel_loop3A_369 : i32 to vector<16xi32>
      %parallel_loop3A_371 = arith.addi %parallel_loop3A_370, %parallel_loop3A_368 : vector<16xi32>
      %parallel_loop3A_372 = tpu.vector_load_idx %arg7[%parallel_loop3A_351, %parallel_loop3A_371] : memref<128x256xf32, #tpu.memory_space<vmem>>[vector<16xi32>, vector<16xi32>], vector<16xf32>,
      tpu.vector_store_idx %arg10[%parallel_loop3A_368, %parallel_loop3A_351], %parallel_loop3A_372 : memref<128x128xf32, #tpu.memory_space<vmem>>[vector<16xi32>, vector<16xi32>], vector<16xf32>,
      %parallel_loop3A_373 = arith.constant 48 : i32
      %parallel_loop3A_374 = vector.broadcast %parallel_loop3A_373 : i32 to vector<16xi32>
      %parallel_loop3A_375 = arith.addi %parallel_loop3A_374, %iota3A : vector<16xi32>
      %parallel_loop3A_376 = arith.constant 128 : i32
      %parallel_loop3A_377 = vector.broadcast %parallel_loop3A_376 : i32 to vector<16xi32>
      %parallel_loop3A_378 = arith.addi %parallel_loop3A_377, %parallel_loop3A_375 : vector<16xi32>
      %parallel_loop3A_379 = tpu.vector_load_idx %arg7[%parallel_loop3A_351, %parallel_loop3A_378] : memref<128x256xf32, #tpu.memory_space<vmem>>[vector<16xi32>, vector<16xi32>], vector<16xf32>,
      tpu.vector_store_idx %arg10[%parallel_loop3A_375, %parallel_loop3A_351], %parallel_loop3A_379 : memref<128x128xf32, #tpu.memory_space<vmem>>[vector<16xi32>, vector<16xi32>], vector<16xf32>,
      %parallel_loop3A_380 = arith.constant 64 : i32
      %parallel_loop3A_381 = vector.broadcast %parallel_loop3A_380 : i32 to vector<16xi32>
      %parallel_loop3A_382 = arith.addi %parallel_loop3A_381, %iota3A : vector<16xi32>
      %parallel_loop3A_383 = arith.constant 128 : i32
      %parallel_loop3A_384 = vector.broadcast %parallel_loop3A_383 : i32 to vector<16xi32>
      %parallel_loop3A_385 = arith.addi %parallel_loop3A_384, %parallel_loop3A_382 : vector<16xi32>
      %parallel_loop3A_386 = tpu.vector_load_idx %arg7[%parallel_loop3A_351, %parallel_loop3A_385] : memref<128x256xf32, #tpu.memory_space<vmem>>[vector<16xi32>, vector<16xi32>], vector<16xf32>,
      tpu.vector_store_idx %arg10[%parallel_loop3A_382, %parallel_loop3A_351], %parallel_loop3A_386 : memref<128x128xf32, #tpu.memory_space<vmem>>[vector<16xi32>, vector<16xi32>], vector<16xf32>,
      %parallel_loop3A_387 = arith.constant 80 : i32
      %parallel_loop3A_388 = vector.broadcast %parallel_loop3A_387 : i32 to vector<16xi32>
      %parallel_loop3A_389 = arith.addi %parallel_loop3A_388, %iota3A : vector<16xi32>
      %parallel_loop3A_390 = arith.constant 128 : i32
      %parallel_loop3A_391 = vector.broadcast %parallel_loop3A_390 : i32 to vector<16xi32>
      %parallel_loop3A_392 = arith.addi %parallel_loop3A_391, %parallel_loop3A_389 : vector<16xi32>
      %parallel_loop3A_393 = tpu.vector_load_idx %arg7[%parallel_loop3A_351, %parallel_loop3A_392] : memref<128x256xf32, #tpu.memory_space<vmem>>[vector<16xi32>, vector<16xi32>], vector<16xf32>,
      tpu.vector_store_idx %arg10[%parallel_loop3A_389, %parallel_loop3A_351], %parallel_loop3A_393 : memref<128x128xf32, #tpu.memory_space<vmem>>[vector<16xi32>, vector<16xi32>], vector<16xf32>,
      %parallel_loop3A_394 = arith.constant 96 : i32
      %parallel_loop3A_395 = vector.broadcast %parallel_loop3A_394 : i32 to vector<16xi32>
      %parallel_loop3A_396 = arith.addi %parallel_loop3A_395, %iota3A : vector<16xi32>
      %parallel_loop3A_397 = arith.constant 128 : i32
      %parallel_loop3A_398 = vector.broadcast %parallel_loop3A_397 : i32 to vector<16xi32>
      %parallel_loop3A_399 = arith.addi %parallel_loop3A_398, %parallel_loop3A_396 : vector<16xi32>
      %parallel_loop3A_400 = tpu.vector_load_idx %arg7[%parallel_loop3A_351, %parallel_loop3A_399] : memref<128x256xf32, #tpu.memory_space<vmem>>[vector<16xi32>, vector<16xi32>], vector<16xf32>,
      tpu.vector_store_idx %arg10[%parallel_loop3A_396, %parallel_loop3A_351], %parallel_loop3A_400 : memref<128x128xf32, #tpu.memory_space<vmem>>[vector<16xi32>, vector<16xi32>], vector<16xf32>,
      %parallel_loop3A_401 = arith.constant 112 : i32
      %parallel_loop3A_402 = vector.broadcast %parallel_loop3A_401 : i32 to vector<16xi32>
      %parallel_loop3A_403 = arith.addi %parallel_loop3A_402, %iota3A : vector<16xi32>
      %parallel_loop3A_404 = arith.constant 128 : i32
      %parallel_loop3A_405 = vector.broadcast %parallel_loop3A_404 : i32 to vector<16xi32>
      %parallel_loop3A_406 = arith.addi %parallel_loop3A_405, %parallel_loop3A_403 : vector<16xi32>
      %parallel_loop3A_407 = tpu.vector_load_idx %arg7[%parallel_loop3A_351, %parallel_loop3A_406] : memref<128x256xf32, #tpu.memory_space<vmem>>[vector<16xi32>, vector<16xi32>], vector<16xf32>,
      tpu.vector_store_idx %arg10[%parallel_loop3A_403, %parallel_loop3A_351], %parallel_loop3A_407 : memref<128x128xf32, #tpu.memory_space<vmem>>[vector<16xi32>, vector<16xi32>], vector<16xf32>,
    } {sc.loop_unroll_factor = 1 : i64, sc.parallel_access}
    %dma_start3A_117 = arith.constant 1 : i32
    %dma_start3A_118 = arith.constant 0 : i32
    %dma_start3A_119 = tpu.memref_slice %arg13[%dma_start3A_117, %dma_start3A_118] : memref<4x128xi32, #tpu.memory_space<vmem>> -> memref<1x128xi32, #tpu.memory_space<vmem>>
    %dma_start3A_120 = tpu.memref_squeeze %dma_start3A_119 : memref<1x128xi32, #tpu.memory_space<vmem>> -> memref<128xi32, #tpu.memory_space<vmem>>
    %dma_start3A_121 = arith.constant 0 : i32
    %dma_start3A_122 = arith.constant 0 : i32
    %dma_start3A_123 = tpu.memref_slice %arg5[%dma_start3A_121, %dma_start3A_122] : memref<32768x128xf32, #tpu.memory_space<hbm>> -> memref<32768x128xf32, #tpu.memory_space<hbm>>
    tpu.enqueue_indirect_dma source(%arg10 : memref<128x128xf32, #tpu.memory_space<vmem>>) target(%dma_start3A_123 : memref<32768x128xf32, #tpu.memory_space<hbm>>) offsets(%dma_start3A_120 : memref<128xi32, #tpu.memory_space<vmem>>) semaphore(%arg17 : memref<!tpu.dma_semaphore, #tpu.memory_space<semaphore_mem>>)
    %dma_wait3A_124 = arith.constant 2 : i32
    %dma_wait3A_125 = arith.constant 0 : i32
    %dma_wait3A_126 = tpu.memref_slice %arg14[%dma_wait3A_124, %dma_wait3A_125] : memref<8x64xi32, #tpu.memory_space<vmem>> -> memref<1x64xi32, #tpu.memory_space<vmem>>
    %dma_wait3A_127 = tpu.memref_squeeze %dma_wait3A_126 : memref<1x64xi32, #tpu.memory_space<vmem>> -> memref<64xi32, #tpu.memory_space<vmem>>
    %dma_wait3A_128 = arith.constant 0 : i32
    %dma_wait3A_129 = arith.constant 0 : i32
    %dma_wait3A_130 = tpu.memref_slice %arg3[%dma_wait3A_128, %dma_wait3A_129] : memref<32768x128xf32, #tpu.memory_space<hbm>> -> memref<32768x128xf32, #tpu.memory_space<hbm>>
    tpu.wait_indirect_dma semaphore(%arg18 : memref<!tpu.dma_semaphore, #tpu.memory_space<semaphore_mem>>) src(%dma_wait3A_130 : memref<32768x128xf32, #tpu.memory_space<hbm>>) dst(%arg11 : memref<64x128xf32, #tpu.memory_space<vmem>>)
    %dma_start3A_131 = arith.constant 2 : i32
    %dma_start3A_132 = arith.constant 0 : i32
    %dma_start3A_133 = tpu.memref_slice %arg15[%dma_start3A_131, %dma_start3A_132] : memref<8x64xi32, #tpu.memory_space<vmem>> -> memref<1x64xi32, #tpu.memory_space<vmem>>
    %dma_start3A_134 = tpu.memref_squeeze %dma_start3A_133 : memref<1x64xi32, #tpu.memory_space<vmem>> -> memref<64xi32, #tpu.memory_space<vmem>>
    %dma_start3A_135 = arith.constant 0 : i32
    %dma_start3A_136 = arith.constant 0 : i32
    %dma_start3A_137 = tpu.memref_slice %arg5[%dma_start3A_135, %dma_start3A_136] : memref<32768x128xf32, #tpu.memory_space<hbm>> -> memref<32768x128xf32, #tpu.memory_space<hbm>>
    tpu.enqueue_indirect_dma source(%arg11 : memref<64x128xf32, #tpu.memory_space<vmem>>) target(%dma_start3A_137 : memref<32768x128xf32, #tpu.memory_space<hbm>>) offsets(%dma_start3A_134 : memref<64xi32, #tpu.memory_space<vmem>>) semaphore(%arg19 : memref<!tpu.dma_semaphore, #tpu.memory_space<semaphore_mem>>)
    %dma_wait3A_138 = arith.constant 1 : i32
    %dma_wait3A_139 = arith.constant 0 : i32
    %dma_wait3A_140 = tpu.memref_slice %arg15[%dma_wait3A_138, %dma_wait3A_139] : memref<8x64xi32, #tpu.memory_space<vmem>> -> memref<1x64xi32, #tpu.memory_space<vmem>>
    %dma_wait3A_141 = tpu.memref_squeeze %dma_wait3A_140 : memref<1x64xi32, #tpu.memory_space<vmem>> -> memref<64xi32, #tpu.memory_space<vmem>>
    %dma_wait3A_142 = arith.constant 0 : i32
    %dma_wait3A_143 = arith.constant 0 : i32
    %dma_wait3A_144 = tpu.memref_slice %arg5[%dma_wait3A_142, %dma_wait3A_143] : memref<32768x128xf32, #tpu.memory_space<hbm>> -> memref<32768x128xf32, #tpu.memory_space<hbm>>
    tpu.wait_indirect_dma semaphore(%arg19 : memref<!tpu.dma_semaphore, #tpu.memory_space<semaphore_mem>>) src(%arg12 : memref<64x128xf32, #tpu.memory_space<vmem>>) dst(%dma_wait3A_144 : memref<32768x128xf32, #tpu.memory_space<hbm>>)
    %dma_start3A_145 = arith.constant 3 : i32
    %dma_start3A_146 = arith.constant 0 : i32
    %dma_start3A_147 = tpu.memref_slice %arg14[%dma_start3A_145, %dma_start3A_146] : memref<8x64xi32, #tpu.memory_space<vmem>> -> memref<1x64xi32, #tpu.memory_space<vmem>>
    %dma_start3A_148 = tpu.memref_squeeze %dma_start3A_147 : memref<1x64xi32, #tpu.memory_space<vmem>> -> memref<64xi32, #tpu.memory_space<vmem>>
    %dma_start3A_149 = arith.constant 0 : i32
    %dma_start3A_150 = arith.constant 0 : i32
    %dma_start3A_151 = tpu.memref_slice %arg3[%dma_start3A_149, %dma_start3A_150] : memref<32768x128xf32, #tpu.memory_space<hbm>> -> memref<32768x128xf32, #tpu.memory_space<hbm>>
    tpu.enqueue_indirect_dma source(%dma_start3A_151 : memref<32768x128xf32, #tpu.memory_space<hbm>>) target(%arg12 : memref<64x128xf32, #tpu.memory_space<vmem>>) offsets(%dma_start3A_148 : memref<64xi32, #tpu.memory_space<vmem>>) semaphore(%arg18 : memref<!tpu.dma_semaphore, #tpu.memory_space<semaphore_mem>>)
    %dma_wait3A_152 = arith.constant 3 : i32
    %dma_wait3A_153 = arith.constant 0 : i32
    %dma_wait3A_154 = tpu.memref_slice %arg14[%dma_wait3A_152, %dma_wait3A_153] : memref<8x64xi32, #tpu.memory_space<vmem>> -> memref<1x64xi32, #tpu.memory_space<vmem>>
    %dma_wait3A_155 = tpu.memref_squeeze %dma_wait3A_154 : memref<1x64xi32, #tpu.memory_space<vmem>> -> memref<64xi32, #tpu.memory_space<vmem>>
    %dma_wait3A_156 = arith.constant 0 : i32
    %dma_wait3A_157 = arith.constant 0 : i32
    %dma_wait3A_158 = tpu.memref_slice %arg3[%dma_wait3A_156, %dma_wait3A_157] : memref<32768x128xf32, #tpu.memory_space<hbm>> -> memref<32768x128xf32, #tpu.memory_space<hbm>>
    tpu.wait_indirect_dma semaphore(%arg18 : memref<!tpu.dma_semaphore, #tpu.memory_space<semaphore_mem>>) src(%dma_wait3A_158 : memref<32768x128xf32, #tpu.memory_space<hbm>>) dst(%arg12 : memref<64x128xf32, #tpu.memory_space<vmem>>)
    %dma_start3A_159 = arith.constant 3 : i32
    %dma_start3A_160 = arith.constant 0 : i32
    %dma_start3A_161 = tpu.memref_slice %arg15[%dma_start3A_159, %dma_start3A_160] : memref<8x64xi32, #tpu.memory_space<vmem>> -> memref<1x64xi32, #tpu.memory_space<vmem>>
    %dma_start3A_162 = tpu.memref_squeeze %dma_start3A_161 : memref<1x64xi32, #tpu.memory_space<vmem>> -> memref<64xi32, #tpu.memory_space<vmem>>
    %dma_start3A_163 = arith.constant 0 : i32
    %dma_start3A_164 = arith.constant 0 : i32
    %dma_start3A_165 = tpu.memref_slice %arg5[%dma_start3A_163, %dma_start3A_164] : memref<32768x128xf32, #tpu.memory_space<hbm>> -> memref<32768x128xf32, #tpu.memory_space<hbm>>
    tpu.enqueue_indirect_dma source(%arg12 : memref<64x128xf32, #tpu.memory_space<vmem>>) target(%dma_start3A_165 : memref<32768x128xf32, #tpu.memory_space<hbm>>) offsets(%dma_start3A_162 : memref<64xi32, #tpu.memory_space<vmem>>) semaphore(%arg19 : memref<!tpu.dma_semaphore, #tpu.memory_space<semaphore_mem>>)
    %dma_wait3A_166 = arith.constant 2 : i32
    %dma_wait3A_167 = arith.constant 0 : i32
    %dma_wait3A_168 = tpu.memref_slice %arg15[%dma_wait3A_166, %dma_wait3A_167] : memref<8x64xi32, #tpu.memory_space<vmem>> -> memref<1x64xi32, #tpu.memory_space<vmem>>
    %dma_wait3A_169 = tpu.memref_squeeze %dma_wait3A_168 : memref<1x64xi32, #tpu.memory_space<vmem>> -> memref<64xi32, #tpu.memory_space<vmem>>
    %dma_wait3A_170 = arith.constant 0 : i32
    %dma_wait3A_171 = arith.constant 0 : i32
    %dma_wait3A_172 = tpu.memref_slice %arg5[%dma_wait3A_170, %dma_wait3A_171] : memref<32768x128xf32, #tpu.memory_space<hbm>> -> memref<32768x128xf32, #tpu.memory_space<hbm>>
    tpu.wait_indirect_dma semaphore(%arg19 : memref<!tpu.dma_semaphore, #tpu.memory_space<semaphore_mem>>) src(%arg11 : memref<64x128xf32, #tpu.memory_space<vmem>>) dst(%dma_wait3A_172 : memref<32768x128xf32, #tpu.memory_space<hbm>>)
    %dma_start3A_173 = arith.constant 4 : i32
    %dma_start3A_174 = arith.constant 0 : i32
    %dma_start3A_175 = tpu.memref_slice %arg14[%dma_start3A_173, %dma_start3A_174] : memref<8x64xi32, #tpu.memory_space<vmem>> -> memref<1x64xi32, #tpu.memory_space<vmem>>
    %dma_start3A_176 = tpu.memref_squeeze %dma_start3A_175 : memref<1x64xi32, #tpu.memory_space<vmem>> -> memref<64xi32, #tpu.memory_space<vmem>>
    %dma_start3A_177 = arith.constant 0 : i32
    %dma_start3A_178 = arith.constant 0 : i32
    %dma_start3A_179 = tpu.memref_slice %arg3[%dma_start3A_177, %dma_start3A_178] : memref<32768x128xf32, #tpu.memory_space<hbm>> -> memref<32768x128xf32, #tpu.memory_space<hbm>>
    tpu.enqueue_indirect_dma source(%dma_start3A_179 : memref<32768x128xf32, #tpu.memory_space<hbm>>) target(%arg11 : memref<64x128xf32, #tpu.memory_space<vmem>>) offsets(%dma_start3A_176 : memref<64xi32, #tpu.memory_space<vmem>>) semaphore(%arg18 : memref<!tpu.dma_semaphore, #tpu.memory_space<semaphore_mem>>)
    %dma_wait3A_180 = arith.constant 0 : i32
    %dma_wait3A_181 = tpu.memref_slice %arg4[%dma_wait3A_180, %add3A_51] : memref<10000x1024xf32, #tpu.memory_space<hbm>> -> memref<10000x256xf32, #tpu.memory_space<hbm>>
    tpu.wait_indirect_dma semaphore(%arg16 : memref<!tpu.dma_semaphore, #tpu.memory_space<semaphore_mem>>) src(%dma_wait3A_181 : memref<10000x256xf32, #tpu.memory_space<hbm>>) dst(%arg8 : memref<128x256xf32, #tpu.memory_space<vmem>>)
    %dma_wait3A_182 = arith.constant 0 : i32
    %dma_wait3A_183 = arith.constant 0 : i32
    %dma_wait3A_184 = tpu.memref_slice %arg13[%dma_wait3A_182, %dma_wait3A_183] : memref<4x128xi32, #tpu.memory_space<vmem>> -> memref<1x128xi32, #tpu.memory_space<vmem>>
    %dma_wait3A_185 = tpu.memref_squeeze %dma_wait3A_184 : memref<1x128xi32, #tpu.memory_space<vmem>> -> memref<128xi32, #tpu.memory_space<vmem>>
    %dma_wait3A_186 = arith.constant 0 : i32
    %dma_wait3A_187 = arith.constant 0 : i32
    %dma_wait3A_188 = tpu.memref_slice %arg5[%dma_wait3A_186, %dma_wait3A_187] : memref<32768x128xf32, #tpu.memory_space<hbm>> -> memref<32768x128xf32, #tpu.memory_space<hbm>>
    tpu.wait_indirect_dma semaphore(%arg17 : memref<!tpu.dma_semaphore, #tpu.memory_space<semaphore_mem>>) src(%arg9 : memref<128x128xf32, #tpu.memory_space<vmem>>) dst(%dma_wait3A_188 : memref<32768x128xf32, #tpu.memory_space<hbm>>)
    %parallel_loop3A_189 = arith.constant 0 : i32
    %parallel_loop3A_190 = arith.constant 128 : i32
    %parallel_loop3A_191 = arith.constant 1 : i32
    scf.for %parallel_loop3A_342 = %parallel_loop3A_189 to %parallel_loop3A_190 step %parallel_loop3A_191  : i32 {
      %parallel_loop3A_343 = arith.constant -16 : i32
      %parallel_loop3A_344 = arith.andi %parallel_loop3A_342, %parallel_loop3A_343 : i32
      %parallel_loop3A_345 = vector.broadcast %parallel_loop3A_342 : i32 to vector<16xi32>
      %parallel_loop3A_346 = arith.addi %iota3A, %parallel_loop3A_345 : vector<16xi32>
      %parallel_loop3A_347 = arith.constant 15 : i32
      %parallel_loop3A_348 = vector.broadcast %parallel_loop3A_347 : i32 to vector<16xi32>
      %parallel_loop3A_349 = arith.andi %parallel_loop3A_346, %parallel_loop3A_348 : vector<16xi32>
      %parallel_loop3A_350 = vector.broadcast %parallel_loop3A_344 : i32 to vector<16xi32>
      %parallel_loop3A_351 = arith.addi %parallel_loop3A_350, %parallel_loop3A_349 : vector<16xi32>
      %parallel_loop3A_352 = arith.constant 0 : i32
      %parallel_loop3A_353 = vector.broadcast %parallel_loop3A_352 : i32 to vector<16xi32>
      %parallel_loop3A_354 = arith.addi %parallel_loop3A_353, %iota3A : vector<16xi32>
      %parallel_loop3A_355 = arith.constant 0 : i32
      %parallel_loop3A_356 = vector.broadcast %parallel_loop3A_355 : i32 to vector<16xi32>
      %parallel_loop3A_357 = arith.addi %parallel_loop3A_356, %parallel_loop3A_354 : vector<16xi32>
      %parallel_loop3A_358 = tpu.vector_load_idx %arg8[%parallel_loop3A_351, %parallel_loop3A_357] : memref<128x256xf32, #tpu.memory_space<vmem>>[vector<16xi32>, vector<16xi32>], vector<16xf32>,
      tpu.vector_store_idx %arg9[%parallel_loop3A_354, %parallel_loop3A_351], %parallel_loop3A_358 : memref<128x128xf32, #tpu.memory_space<vmem>>[vector<16xi32>, vector<16xi32>], vector<16xf32>,
      %parallel_loop3A_359 = arith.constant 16 : i32
      %parallel_loop3A_360 = vector.broadcast %parallel_loop3A_359 : i32 to vector<16xi32>
      %parallel_loop3A_361 = arith.addi %parallel_loop3A_360, %iota3A : vector<16xi32>
      %parallel_loop3A_362 = arith.constant 0 : i32
      %parallel_loop3A_363 = vector.broadcast %parallel_loop3A_362 : i32 to vector<16xi32>
      %parallel_loop3A_364 = arith.addi %parallel_loop3A_363, %parallel_loop3A_361 : vector<16xi32>
      %parallel_loop3A_365 = tpu.vector_load_idx %arg8[%parallel_loop3A_351, %parallel_loop3A_364] : memref<128x256xf32, #tpu.memory_space<vmem>>[vector<16xi32>, vector<16xi32>], vector<16xf32>,
      tpu.vector_store_idx %arg9[%parallel_loop3A_361, %parallel_loop3A_351], %parallel_loop3A_365 : memref<128x128xf32, #tpu.memory_space<vmem>>[vector<16xi32>, vector<16xi32>], vector<16xf32>,
      %parallel_loop3A_366 = arith.constant 32 : i32
      %parallel_loop3A_367 = vector.broadcast %parallel_loop3A_366 : i32 to vector<16xi32>
      %parallel_loop3A_368 = arith.addi %parallel_loop3A_367, %iota3A : vector<16xi32>
      %parallel_loop3A_369 = arith.constant 0 : i32
      %parallel_loop3A_370 = vector.broadcast %parallel_loop3A_369 : i32 to vector<16xi32>
      %parallel_loop3A_371 = arith.addi %parallel_loop3A_370, %parallel_loop3A_368 : vector<16xi32>
      %parallel_loop3A_372 = tpu.vector_load_idx %arg8[%parallel_loop3A_351, %parallel_loop3A_371] : memref<128x256xf32, #tpu.memory_space<vmem>>[vector<16xi32>, vector<16xi32>], vector<16xf32>,
      tpu.vector_store_idx %arg9[%parallel_loop3A_368, %parallel_loop3A_351], %parallel_loop3A_372 : memref<128x128xf32, #tpu.memory_space<vmem>>[vector<16xi32>, vector<16xi32>], vector<16xf32>,
      %parallel_loop3A_373 = arith.constant 48 : i32
      %parallel_loop3A_374 = vector.broadcast %parallel_loop3A_373 : i32 to vector<16xi32>
      %parallel_loop3A_375 = arith.addi %parallel_loop3A_374, %iota3A : vector<16xi32>
      %parallel_loop3A_376 = arith.constant 0 : i32
      %parallel_loop3A_377 = vector.broadcast %parallel_loop3A_376 : i32 to vector<16xi32>
      %parallel_loop3A_378 = arith.addi %parallel_loop3A_377, %parallel_loop3A_375 : vector<16xi32>
      %parallel_loop3A_379 = tpu.vector_load_idx %arg8[%parallel_loop3A_351, %parallel_loop3A_378] : memref<128x256xf32, #tpu.memory_space<vmem>>[vector<16xi32>, vector<16xi32>], vector<16xf32>,
      tpu.vector_store_idx %arg9[%parallel_loop3A_375, %parallel_loop3A_351], %parallel_loop3A_379 : memref<128x128xf32, #tpu.memory_space<vmem>>[vector<16xi32>, vector<16xi32>], vector<16xf32>,
      %parallel_loop3A_380 = arith.constant 64 : i32
      %parallel_loop3A_381 = vector.broadcast %parallel_loop3A_380 : i32 to vector<16xi32>
      %parallel_loop3A_382 = arith.addi %parallel_loop3A_381, %iota3A : vector<16xi32>
      %parallel_loop3A_383 = arith.constant 0 : i32
      %parallel_loop3A_384 = vector.broadcast %parallel_loop3A_383 : i32 to vector<16xi32>
      %parallel_loop3A_385 = arith.addi %parallel_loop3A_384, %parallel_loop3A_382 : vector<16xi32>
      %parallel_loop3A_386 = tpu.vector_load_idx %arg8[%parallel_loop3A_351, %parallel_loop3A_385] : memref<128x256xf32, #tpu.memory_space<vmem>>[vector<16xi32>, vector<16xi32>], vector<16xf32>,
      tpu.vector_store_idx %arg9[%parallel_loop3A_382, %parallel_loop3A_351], %parallel_loop3A_386 : memref<128x128xf32, #tpu.memory_space<vmem>>[vector<16xi32>, vector<16xi32>], vector<16xf32>,
      %parallel_loop3A_387 = arith.constant 80 : i32
      %parallel_loop3A_388 = vector.broadcast %parallel_loop3A_387 : i32 to vector<16xi32>
      %parallel_loop3A_389 = arith.addi %parallel_loop3A_388, %iota3A : vector<16xi32>
      %parallel_loop3A_390 = arith.constant 0 : i32
      %parallel_loop3A_391 = vector.broadcast %parallel_loop3A_390 : i32 to vector<16xi32>
      %parallel_loop3A_392 = arith.addi %parallel_loop3A_391, %parallel_loop3A_389 : vector<16xi32>
      %parallel_loop3A_393 = tpu.vector_load_idx %arg8[%parallel_loop3A_351, %parallel_loop3A_392] : memref<128x256xf32, #tpu.memory_space<vmem>>[vector<16xi32>, vector<16xi32>], vector<16xf32>,
      tpu.vector_store_idx %arg9[%parallel_loop3A_389, %parallel_loop3A_351], %parallel_loop3A_393 : memref<128x128xf32, #tpu.memory_space<vmem>>[vector<16xi32>, vector<16xi32>], vector<16xf32>,
      %parallel_loop3A_394 = arith.constant 96 : i32
      %parallel_loop3A_395 = vector.broadcast %parallel_loop3A_394 : i32 to vector<16xi32>
      %parallel_loop3A_396 = arith.addi %parallel_loop3A_395, %iota3A : vector<16xi32>
      %parallel_loop3A_397 = arith.constant 0 : i32
      %parallel_loop3A_398 = vector.broadcast %parallel_loop3A_397 : i32 to vector<16xi32>
      %parallel_loop3A_399 = arith.addi %parallel_loop3A_398, %parallel_loop3A_396 : vector<16xi32>
      %parallel_loop3A_400 = tpu.vector_load_idx %arg8[%parallel_loop3A_351, %parallel_loop3A_399] : memref<128x256xf32, #tpu.memory_space<vmem>>[vector<16xi32>, vector<16xi32>], vector<16xf32>,
      tpu.vector_store_idx %arg9[%parallel_loop3A_396, %parallel_loop3A_351], %parallel_loop3A_400 : memref<128x128xf32, #tpu.memory_space<vmem>>[vector<16xi32>, vector<16xi32>], vector<16xf32>,
      %parallel_loop3A_401 = arith.constant 112 : i32
      %parallel_loop3A_402 = vector.broadcast %parallel_loop3A_401 : i32 to vector<16xi32>
      %parallel_loop3A_403 = arith.addi %parallel_loop3A_402, %iota3A : vector<16xi32>
      %parallel_loop3A_404 = arith.constant 0 : i32
      %parallel_loop3A_405 = vector.broadcast %parallel_loop3A_404 : i32 to vector<16xi32>
      %parallel_loop3A_406 = arith.addi %parallel_loop3A_405, %parallel_loop3A_403 : vector<16xi32>
      %parallel_loop3A_407 = tpu.vector_load_idx %arg8[%parallel_loop3A_351, %parallel_loop3A_406] : memref<128x256xf32, #tpu.memory_space<vmem>>[vector<16xi32>, vector<16xi32>], vector<16xf32>,
      tpu.vector_store_idx %arg9[%parallel_loop3A_403, %parallel_loop3A_351], %parallel_loop3A_407 : memref<128x128xf32, #tpu.memory_space<vmem>>[vector<16xi32>, vector<16xi32>], vector<16xf32>,
    } {sc.loop_unroll_factor = 1 : i64, sc.parallel_access}
    %dma_start3A_192 = arith.constant 2 : i32
    %dma_start3A_193 = arith.constant 0 : i32
    %dma_start3A_194 = tpu.memref_slice %arg13[%dma_start3A_192, %dma_start3A_193] : memref<4x128xi32, #tpu.memory_space<vmem>> -> memref<1x128xi32, #tpu.memory_space<vmem>>
    %dma_start3A_195 = tpu.memref_squeeze %dma_start3A_194 : memref<1x128xi32, #tpu.memory_space<vmem>> -> memref<128xi32, #tpu.memory_space<vmem>>
    %dma_start3A_196 = arith.constant 0 : i32
    %dma_start3A_197 = arith.constant 0 : i32
    %dma_start3A_198 = tpu.memref_slice %arg5[%dma_start3A_196, %dma_start3A_197] : memref<32768x128xf32, #tpu.memory_space<hbm>> -> memref<32768x128xf32, #tpu.memory_space<hbm>>
    tpu.enqueue_indirect_dma source(%arg9 : memref<128x128xf32, #tpu.memory_space<vmem>>) target(%dma_start3A_198 : memref<32768x128xf32, #tpu.memory_space<hbm>>) offsets(%dma_start3A_195 : memref<128xi32, #tpu.memory_space<vmem>>) semaphore(%arg17 : memref<!tpu.dma_semaphore, #tpu.memory_space<semaphore_mem>>)
    %dma_wait3A_199 = arith.constant 4 : i32
    %dma_wait3A_200 = arith.constant 0 : i32
    %dma_wait3A_201 = tpu.memref_slice %arg14[%dma_wait3A_199, %dma_wait3A_200] : memref<8x64xi32, #tpu.memory_space<vmem>> -> memref<1x64xi32, #tpu.memory_space<vmem>>
    %dma_wait3A_202 = tpu.memref_squeeze %dma_wait3A_201 : memref<1x64xi32, #tpu.memory_space<vmem>> -> memref<64xi32, #tpu.memory_space<vmem>>
    %dma_wait3A_203 = arith.constant 0 : i32
    %dma_wait3A_204 = arith.constant 0 : i32
    %dma_wait3A_205 = tpu.memref_slice %arg3[%dma_wait3A_203, %dma_wait3A_204] : memref<32768x128xf32, #tpu.memory_space<hbm>> -> memref<32768x128xf32, #tpu.memory_space<hbm>>
    tpu.wait_indirect_dma semaphore(%arg18 : memref<!tpu.dma_semaphore, #tpu.memory_space<semaphore_mem>>) src(%dma_wait3A_205 : memref<32768x128xf32, #tpu.memory_space<hbm>>) dst(%arg11 : memref<64x128xf32, #tpu.memory_space<vmem>>)
    %dma_start3A_206 = arith.constant 4 : i32
    %dma_start3A_207 = arith.constant 0 : i32
    %dma_start3A_208 = tpu.memref_slice %arg15[%dma_start3A_206, %dma_start3A_207] : memref<8x64xi32, #tpu.memory_space<vmem>> -> memref<1x64xi32, #tpu.memory_space<vmem>>
    %dma_start3A_209 = tpu.memref_squeeze %dma_start3A_208 : memref<1x64xi32, #tpu.memory_space<vmem>> -> memref<64xi32, #tpu.memory_space<vmem>>
    %dma_start3A_210 = arith.constant 0 : i32
    %dma_start3A_211 = arith.constant 0 : i32
    %dma_start3A_212 = tpu.memref_slice %arg5[%dma_start3A_210, %dma_start3A_211] : memref<32768x128xf32, #tpu.memory_space<hbm>> -> memref<32768x128xf32, #tpu.memory_space<hbm>>
    tpu.enqueue_indirect_dma source(%arg11 : memref<64x128xf32, #tpu.memory_space<vmem>>) target(%dma_start3A_212 : memref<32768x128xf32, #tpu.memory_space<hbm>>) offsets(%dma_start3A_209 : memref<64xi32, #tpu.memory_space<vmem>>) semaphore(%arg19 : memref<!tpu.dma_semaphore, #tpu.memory_space<semaphore_mem>>)
    %dma_wait3A_213 = arith.constant 3 : i32
    %dma_wait3A_214 = arith.constant 0 : i32
    %dma_wait3A_215 = tpu.memref_slice %arg15[%dma_wait3A_213, %dma_wait3A_214] : memref<8x64xi32, #tpu.memory_space<vmem>> -> memref<1x64xi32, #tpu.memory_space<vmem>>
    %dma_wait3A_216 = tpu.memref_squeeze %dma_wait3A_215 : memref<1x64xi32, #tpu.memory_space<vmem>> -> memref<64xi32, #tpu.memory_space<vmem>>
    %dma_wait3A_217 = arith.constant 0 : i32
    %dma_wait3A_218 = arith.constant 0 : i32
    %dma_wait3A_219 = tpu.memref_slice %arg5[%dma_wait3A_217, %dma_wait3A_218] : memref<32768x128xf32, #tpu.memory_space<hbm>> -> memref<32768x128xf32, #tpu.memory_space<hbm>>
    tpu.wait_indirect_dma semaphore(%arg19 : memref<!tpu.dma_semaphore, #tpu.memory_space<semaphore_mem>>) src(%arg12 : memref<64x128xf32, #tpu.memory_space<vmem>>) dst(%dma_wait3A_219 : memref<32768x128xf32, #tpu.memory_space<hbm>>)
    %dma_start3A_220 = arith.constant 5 : i32
    %dma_start3A_221 = arith.constant 0 : i32
    %dma_start3A_222 = tpu.memref_slice %arg14[%dma_start3A_220, %dma_start3A_221] : memref<8x64xi32, #tpu.memory_space<vmem>> -> memref<1x64xi32, #tpu.memory_space<vmem>>
    %dma_start3A_223 = tpu.memref_squeeze %dma_start3A_222 : memref<1x64xi32, #tpu.memory_space<vmem>> -> memref<64xi32, #tpu.memory_space<vmem>>
    %dma_start3A_224 = arith.constant 0 : i32
    %dma_start3A_225 = arith.constant 0 : i32
    %dma_start3A_226 = tpu.memref_slice %arg3[%dma_start3A_224, %dma_start3A_225] : memref<32768x128xf32, #tpu.memory_space<hbm>> -> memref<32768x128xf32, #tpu.memory_space<hbm>>
    tpu.enqueue_indirect_dma source(%dma_start3A_226 : memref<32768x128xf32, #tpu.memory_space<hbm>>) target(%arg12 : memref<64x128xf32, #tpu.memory_space<vmem>>) offsets(%dma_start3A_223 : memref<64xi32, #tpu.memory_space<vmem>>) semaphore(%arg18 : memref<!tpu.dma_semaphore, #tpu.memory_space<semaphore_mem>>)
    %dma_wait3A_227 = arith.constant 5 : i32
    %dma_wait3A_228 = arith.constant 0 : i32
    %dma_wait3A_229 = tpu.memref_slice %arg14[%dma_wait3A_227, %dma_wait3A_228] : memref<8x64xi32, #tpu.memory_space<vmem>> -> memref<1x64xi32, #tpu.memory_space<vmem>>
    %dma_wait3A_230 = tpu.memref_squeeze %dma_wait3A_229 : memref<1x64xi32, #tpu.memory_space<vmem>> -> memref<64xi32, #tpu.memory_space<vmem>>
    %dma_wait3A_231 = arith.constant 0 : i32
    %dma_wait3A_232 = arith.constant 0 : i32
    %dma_wait3A_233 = tpu.memref_slice %arg3[%dma_wait3A_231, %dma_wait3A_232] : memref<32768x128xf32, #tpu.memory_space<hbm>> -> memref<32768x128xf32, #tpu.memory_space<hbm>>
    tpu.wait_indirect_dma semaphore(%arg18 : memref<!tpu.dma_semaphore, #tpu.memory_space<semaphore_mem>>) src(%dma_wait3A_233 : memref<32768x128xf32, #tpu.memory_space<hbm>>) dst(%arg12 : memref<64x128xf32, #tpu.memory_space<vmem>>)
    %dma_start3A_234 = arith.constant 5 : i32
    %dma_start3A_235 = arith.constant 0 : i32
    %dma_start3A_236 = tpu.memref_slice %arg15[%dma_start3A_234, %dma_start3A_235] : memref<8x64xi32, #tpu.memory_space<vmem>> -> memref<1x64xi32, #tpu.memory_space<vmem>>
    %dma_start3A_237 = tpu.memref_squeeze %dma_start3A_236 : memref<1x64xi32, #tpu.memory_space<vmem>> -> memref<64xi32, #tpu.memory_space<vmem>>
    %dma_start3A_238 = arith.constant 0 : i32
    %dma_start3A_239 = arith.constant 0 : i32
    %dma_start3A_240 = tpu.memref_slice %arg5[%dma_start3A_238, %dma_start3A_239] : memref<32768x128xf32, #tpu.memory_space<hbm>> -> memref<32768x128xf32, #tpu.memory_space<hbm>>
    tpu.enqueue_indirect_dma source(%arg12 : memref<64x128xf32, #tpu.memory_space<vmem>>) target(%dma_start3A_240 : memref<32768x128xf32, #tpu.memory_space<hbm>>) offsets(%dma_start3A_237 : memref<64xi32, #tpu.memory_space<vmem>>) semaphore(%arg19 : memref<!tpu.dma_semaphore, #tpu.memory_space<semaphore_mem>>)
    %dma_wait3A_241 = arith.constant 4 : i32
    %dma_wait3A_242 = arith.constant 0 : i32
    %dma_wait3A_243 = tpu.memref_slice %arg15[%dma_wait3A_241, %dma_wait3A_242] : memref<8x64xi32, #tpu.memory_space<vmem>> -> memref<1x64xi32, #tpu.memory_space<vmem>>
    %dma_wait3A_244 = tpu.memref_squeeze %dma_wait3A_243 : memref<1x64xi32, #tpu.memory_space<vmem>> -> memref<64xi32, #tpu.memory_space<vmem>>
    %dma_wait3A_245 = arith.constant 0 : i32
    %dma_wait3A_246 = arith.constant 0 : i32
    %dma_wait3A_247 = tpu.memref_slice %arg5[%dma_wait3A_245, %dma_wait3A_246] : memref<32768x128xf32, #tpu.memory_space<hbm>> -> memref<32768x128xf32, #tpu.memory_space<hbm>>
    tpu.wait_indirect_dma semaphore(%arg19 : memref<!tpu.dma_semaphore, #tpu.memory_space<semaphore_mem>>) src(%arg11 : memref<64x128xf32, #tpu.memory_space<vmem>>) dst(%dma_wait3A_247 : memref<32768x128xf32, #tpu.memory_space<hbm>>)
    %dma_start3A_248 = arith.constant 6 : i32
    %dma_start3A_249 = arith.constant 0 : i32
    %dma_start3A_250 = tpu.memref_slice %arg14[%dma_start3A_248, %dma_start3A_249] : memref<8x64xi32, #tpu.memory_space<vmem>> -> memref<1x64xi32, #tpu.memory_space<vmem>>
    %dma_start3A_251 = tpu.memref_squeeze %dma_start3A_250 : memref<1x64xi32, #tpu.memory_space<vmem>> -> memref<64xi32, #tpu.memory_space<vmem>>
    %dma_start3A_252 = arith.constant 0 : i32
    %dma_start3A_253 = arith.constant 0 : i32
    %dma_start3A_254 = tpu.memref_slice %arg3[%dma_start3A_252, %dma_start3A_253] : memref<32768x128xf32, #tpu.memory_space<hbm>> -> memref<32768x128xf32, #tpu.memory_space<hbm>>
    tpu.enqueue_indirect_dma source(%dma_start3A_254 : memref<32768x128xf32, #tpu.memory_space<hbm>>) target(%arg11 : memref<64x128xf32, #tpu.memory_space<vmem>>) offsets(%dma_start3A_251 : memref<64xi32, #tpu.memory_space<vmem>>) semaphore(%arg18 : memref<!tpu.dma_semaphore, #tpu.memory_space<semaphore_mem>>)
    %dma_wait3A_255 = arith.constant 1 : i32
    %dma_wait3A_256 = arith.constant 0 : i32
    %dma_wait3A_257 = tpu.memref_slice %arg13[%dma_wait3A_255, %dma_wait3A_256] : memref<4x128xi32, #tpu.memory_space<vmem>> -> memref<1x128xi32, #tpu.memory_space<vmem>>
    %dma_wait3A_258 = tpu.memref_squeeze %dma_wait3A_257 : memref<1x128xi32, #tpu.memory_space<vmem>> -> memref<128xi32, #tpu.memory_space<vmem>>
    %dma_wait3A_259 = arith.constant 0 : i32
    %dma_wait3A_260 = arith.constant 0 : i32
    %dma_wait3A_261 = tpu.memref_slice %arg5[%dma_wait3A_259, %dma_wait3A_260] : memref<32768x128xf32, #tpu.memory_space<hbm>> -> memref<32768x128xf32, #tpu.memory_space<hbm>>
    tpu.wait_indirect_dma semaphore(%arg17 : memref<!tpu.dma_semaphore, #tpu.memory_space<semaphore_mem>>) src(%arg10 : memref<128x128xf32, #tpu.memory_space<vmem>>) dst(%dma_wait3A_261 : memref<32768x128xf32, #tpu.memory_space<hbm>>)
    %parallel_loop3A_262 = arith.constant 0 : i32
    %parallel_loop3A_263 = arith.constant 128 : i32
    %parallel_loop3A_264 = arith.constant 1 : i32
    scf.for %parallel_loop3A_342 = %parallel_loop3A_262 to %parallel_loop3A_263 step %parallel_loop3A_264  : i32 {
      %parallel_loop3A_343 = arith.constant -16 : i32
      %parallel_loop3A_344 = arith.andi %parallel_loop3A_342, %parallel_loop3A_343 : i32
      %parallel_loop3A_345 = vector.broadcast %parallel_loop3A_342 : i32 to vector<16xi32>
      %parallel_loop3A_346 = arith.addi %iota3A, %parallel_loop3A_345 : vector<16xi32>
      %parallel_loop3A_347 = arith.constant 15 : i32
      %parallel_loop3A_348 = vector.broadcast %parallel_loop3A_347 : i32 to vector<16xi32>
      %parallel_loop3A_349 = arith.andi %parallel_loop3A_346, %parallel_loop3A_348 : vector<16xi32>
      %parallel_loop3A_350 = vector.broadcast %parallel_loop3A_344 : i32 to vector<16xi32>
      %parallel_loop3A_351 = arith.addi %parallel_loop3A_350, %parallel_loop3A_349 : vector<16xi32>
      %parallel_loop3A_352 = arith.constant 0 : i32
      %parallel_loop3A_353 = vector.broadcast %parallel_loop3A_352 : i32 to vector<16xi32>
      %parallel_loop3A_354 = arith.addi %parallel_loop3A_353, %iota3A : vector<16xi32>
      %parallel_loop3A_355 = arith.constant 128 : i32
      %parallel_loop3A_356 = vector.broadcast %parallel_loop3A_355 : i32 to vector<16xi32>
      %parallel_loop3A_357 = arith.addi %parallel_loop3A_356, %parallel_loop3A_354 : vector<16xi32>
      %parallel_loop3A_358 = tpu.vector_load_idx %arg8[%parallel_loop3A_351, %parallel_loop3A_357] : memref<128x256xf32, #tpu.memory_space<vmem>>[vector<16xi32>, vector<16xi32>], vector<16xf32>,
      tpu.vector_store_idx %arg10[%parallel_loop3A_354, %parallel_loop3A_351], %parallel_loop3A_358 : memref<128x128xf32, #tpu.memory_space<vmem>>[vector<16xi32>, vector<16xi32>], vector<16xf32>,
      %parallel_loop3A_359 = arith.constant 16 : i32
      %parallel_loop3A_360 = vector.broadcast %parallel_loop3A_359 : i32 to vector<16xi32>
      %parallel_loop3A_361 = arith.addi %parallel_loop3A_360, %iota3A : vector<16xi32>
      %parallel_loop3A_362 = arith.constant 128 : i32
      %parallel_loop3A_363 = vector.broadcast %parallel_loop3A_362 : i32 to vector<16xi32>
      %parallel_loop3A_364 = arith.addi %parallel_loop3A_363, %parallel_loop3A_361 : vector<16xi32>
      %parallel_loop3A_365 = tpu.vector_load_idx %arg8[%parallel_loop3A_351, %parallel_loop3A_364] : memref<128x256xf32, #tpu.memory_space<vmem>>[vector<16xi32>, vector<16xi32>], vector<16xf32>,
      tpu.vector_store_idx %arg10[%parallel_loop3A_361, %parallel_loop3A_351], %parallel_loop3A_365 : memref<128x128xf32, #tpu.memory_space<vmem>>[vector<16xi32>, vector<16xi32>], vector<16xf32>,
      %parallel_loop3A_366 = arith.constant 32 : i32
      %parallel_loop3A_367 = vector.broadcast %parallel_loop3A_366 : i32 to vector<16xi32>
      %parallel_loop3A_368 = arith.addi %parallel_loop3A_367, %iota3A : vector<16xi32>
      %parallel_loop3A_369 = arith.constant 128 : i32
      %parallel_loop3A_370 = vector.broadcast %parallel_loop3A_369 : i32 to vector<16xi32>
      %parallel_loop3A_371 = arith.addi %parallel_loop3A_370, %parallel_loop3A_368 : vector<16xi32>
      %parallel_loop3A_372 = tpu.vector_load_idx %arg8[%parallel_loop3A_351, %parallel_loop3A_371] : memref<128x256xf32, #tpu.memory_space<vmem>>[vector<16xi32>, vector<16xi32>], vector<16xf32>,
      tpu.vector_store_idx %arg10[%parallel_loop3A_368, %parallel_loop3A_351], %parallel_loop3A_372 : memref<128x128xf32, #tpu.memory_space<vmem>>[vector<16xi32>, vector<16xi32>], vector<16xf32>,
      %parallel_loop3A_373 = arith.constant 48 : i32
      %parallel_loop3A_374 = vector.broadcast %parallel_loop3A_373 : i32 to vector<16xi32>
      %parallel_loop3A_375 = arith.addi %parallel_loop3A_374, %iota3A : vector<16xi32>
      %parallel_loop3A_376 = arith.constant 128 : i32
      %parallel_loop3A_377 = vector.broadcast %parallel_loop3A_376 : i32 to vector<16xi32>
      %parallel_loop3A_378 = arith.addi %parallel_loop3A_377, %parallel_loop3A_375 : vector<16xi32>
      %parallel_loop3A_379 = tpu.vector_load_idx %arg8[%parallel_loop3A_351, %parallel_loop3A_378] : memref<128x256xf32, #tpu.memory_space<vmem>>[vector<16xi32>, vector<16xi32>], vector<16xf32>,
      tpu.vector_store_idx %arg10[%parallel_loop3A_375, %parallel_loop3A_351], %parallel_loop3A_379 : memref<128x128xf32, #tpu.memory_space<vmem>>[vector<16xi32>, vector<16xi32>], vector<16xf32>,
      %parallel_loop3A_380 = arith.constant 64 : i32
      %parallel_loop3A_381 = vector.broadcast %parallel_loop3A_380 : i32 to vector<16xi32>
      %parallel_loop3A_382 = arith.addi %parallel_loop3A_381, %iota3A : vector<16xi32>
      %parallel_loop3A_383 = arith.constant 128 : i32
      %parallel_loop3A_384 = vector.broadcast %parallel_loop3A_383 : i32 to vector<16xi32>
      %parallel_loop3A_385 = arith.addi %parallel_loop3A_384, %parallel_loop3A_382 : vector<16xi32>
      %parallel_loop3A_386 = tpu.vector_load_idx %arg8[%parallel_loop3A_351, %parallel_loop3A_385] : memref<128x256xf32, #tpu.memory_space<vmem>>[vector<16xi32>, vector<16xi32>], vector<16xf32>,
      tpu.vector_store_idx %arg10[%parallel_loop3A_382, %parallel_loop3A_351], %parallel_loop3A_386 : memref<128x128xf32, #tpu.memory_space<vmem>>[vector<16xi32>, vector<16xi32>], vector<16xf32>,
      %parallel_loop3A_387 = arith.constant 80 : i32
      %parallel_loop3A_388 = vector.broadcast %parallel_loop3A_387 : i32 to vector<16xi32>
      %parallel_loop3A_389 = arith.addi %parallel_loop3A_388, %iota3A : vector<16xi32>
      %parallel_loop3A_390 = arith.constant 128 : i32
      %parallel_loop3A_391 = vector.broadcast %parallel_loop3A_390 : i32 to vector<16xi32>
      %parallel_loop3A_392 = arith.addi %parallel_loop3A_391, %parallel_loop3A_389 : vector<16xi32>
      %parallel_loop3A_393 = tpu.vector_load_idx %arg8[%parallel_loop3A_351, %parallel_loop3A_392] : memref<128x256xf32, #tpu.memory_space<vmem>>[vector<16xi32>, vector<16xi32>], vector<16xf32>,
      tpu.vector_store_idx %arg10[%parallel_loop3A_389, %parallel_loop3A_351], %parallel_loop3A_393 : memref<128x128xf32, #tpu.memory_space<vmem>>[vector<16xi32>, vector<16xi32>], vector<16xf32>,
      %parallel_loop3A_394 = arith.constant 96 : i32
      %parallel_loop3A_395 = vector.broadcast %parallel_loop3A_394 : i32 to vector<16xi32>
      %parallel_loop3A_396 = arith.addi %parallel_loop3A_395, %iota3A : vector<16xi32>
      %parallel_loop3A_397 = arith.constant 128 : i32
      %parallel_loop3A_398 = vector.broadcast %parallel_loop3A_397 : i32 to vector<16xi32>
      %parallel_loop3A_399 = arith.addi %parallel_loop3A_398, %parallel_loop3A_396 : vector<16xi32>
      %parallel_loop3A_400 = tpu.vector_load_idx %arg8[%parallel_loop3A_351, %parallel_loop3A_399] : memref<128x256xf32, #tpu.memory_space<vmem>>[vector<16xi32>, vector<16xi32>], vector<16xf32>,
      tpu.vector_store_idx %arg10[%parallel_loop3A_396, %parallel_loop3A_351], %parallel_loop3A_400 : memref<128x128xf32, #tpu.memory_space<vmem>>[vector<16xi32>, vector<16xi32>], vector<16xf32>,
      %parallel_loop3A_401 = arith.constant 112 : i32
      %parallel_loop3A_402 = vector.broadcast %parallel_loop3A_401 : i32 to vector<16xi32>
      %parallel_loop3A_403 = arith.addi %parallel_loop3A_402, %iota3A : vector<16xi32>
      %parallel_loop3A_404 = arith.constant 128 : i32
      %parallel_loop3A_405 = vector.broadcast %parallel_loop3A_404 : i32 to vector<16xi32>
      %parallel_loop3A_406 = arith.addi %parallel_loop3A_405, %parallel_loop3A_403 : vector<16xi32>
      %parallel_loop3A_407 = tpu.vector_load_idx %arg8[%parallel_loop3A_351, %parallel_loop3A_406] : memref<128x256xf32, #tpu.memory_space<vmem>>[vector<16xi32>, vector<16xi32>], vector<16xf32>,
      tpu.vector_store_idx %arg10[%parallel_loop3A_403, %parallel_loop3A_351], %parallel_loop3A_407 : memref<128x128xf32, #tpu.memory_space<vmem>>[vector<16xi32>, vector<16xi32>], vector<16xf32>,
    } {sc.loop_unroll_factor = 1 : i64, sc.parallel_access}
    %dma_start3A_265 = arith.constant 3 : i32
    %dma_start3A_266 = arith.constant 0 : i32
    %dma_start3A_267 = tpu.memref_slice %arg13[%dma_start3A_265, %dma_start3A_266] : memref<4x128xi32, #tpu.memory_space<vmem>> -> memref<1x128xi32, #tpu.memory_space<vmem>>
    %dma_start3A_268 = tpu.memref_squeeze %dma_start3A_267 : memref<1x128xi32, #tpu.memory_space<vmem>> -> memref<128xi32, #tpu.memory_space<vmem>>
    %dma_start3A_269 = arith.constant 0 : i32
    %dma_start3A_270 = arith.constant 0 : i32
    %dma_start3A_271 = tpu.memref_slice %arg5[%dma_start3A_269, %dma_start3A_270] : memref<32768x128xf32, #tpu.memory_space<hbm>> -> memref<32768x128xf32, #tpu.memory_space<hbm>>
    tpu.enqueue_indirect_dma source(%arg10 : memref<128x128xf32, #tpu.memory_space<vmem>>) target(%dma_start3A_271 : memref<32768x128xf32, #tpu.memory_space<hbm>>) offsets(%dma_start3A_268 : memref<128xi32, #tpu.memory_space<vmem>>) semaphore(%arg17 : memref<!tpu.dma_semaphore, #tpu.memory_space<semaphore_mem>>)
    %dma_wait3A_272 = arith.constant 6 : i32
    %dma_wait3A_273 = arith.constant 0 : i32
    %dma_wait3A_274 = tpu.memref_slice %arg14[%dma_wait3A_272, %dma_wait3A_273] : memref<8x64xi32, #tpu.memory_space<vmem>> -> memref<1x64xi32, #tpu.memory_space<vmem>>
    %dma_wait3A_275 = tpu.memref_squeeze %dma_wait3A_274 : memref<1x64xi32, #tpu.memory_space<vmem>> -> memref<64xi32, #tpu.memory_space<vmem>>
    %dma_wait3A_276 = arith.constant 0 : i32
    %dma_wait3A_277 = arith.constant 0 : i32
    %dma_wait3A_278 = tpu.memref_slice %arg3[%dma_wait3A_276, %dma_wait3A_277] : memref<32768x128xf32, #tpu.memory_space<hbm>> -> memref<32768x128xf32, #tpu.memory_space<hbm>>
    tpu.wait_indirect_dma semaphore(%arg18 : memref<!tpu.dma_semaphore, #tpu.memory_space<semaphore_mem>>) src(%dma_wait3A_278 : memref<32768x128xf32, #tpu.memory_space<hbm>>) dst(%arg11 : memref<64x128xf32, #tpu.memory_space<vmem>>)
    %dma_start3A_279 = arith.constant 6 : i32
    %dma_start3A_280 = arith.constant 0 : i32
    %dma_start3A_281 = tpu.memref_slice %arg15[%dma_start3A_279, %dma_start3A_280] : memref<8x64xi32, #tpu.memory_space<vmem>> -> memref<1x64xi32, #tpu.memory_space<vmem>>
    %dma_start3A_282 = tpu.memref_squeeze %dma_start3A_281 : memref<1x64xi32, #tpu.memory_space<vmem>> -> memref<64xi32, #tpu.memory_space<vmem>>
    %dma_start3A_283 = arith.constant 0 : i32
    %dma_start3A_284 = arith.constant 0 : i32
    %dma_start3A_285 = tpu.memref_slice %arg5[%dma_start3A_283, %dma_start3A_284] : memref<32768x128xf32, #tpu.memory_space<hbm>> -> memref<32768x128xf32, #tpu.memory_space<hbm>>
    tpu.enqueue_indirect_dma source(%arg11 : memref<64x128xf32, #tpu.memory_space<vmem>>) target(%dma_start3A_285 : memref<32768x128xf32, #tpu.memory_space<hbm>>) offsets(%dma_start3A_282 : memref<64xi32, #tpu.memory_space<vmem>>) semaphore(%arg19 : memref<!tpu.dma_semaphore, #tpu.memory_space<semaphore_mem>>)
    %dma_wait3A_286 = arith.constant 5 : i32
    %dma_wait3A_287 = arith.constant 0 : i32
    %dma_wait3A_288 = tpu.memref_slice %arg15[%dma_wait3A_286, %dma_wait3A_287] : memref<8x64xi32, #tpu.memory_space<vmem>> -> memref<1x64xi32, #tpu.memory_space<vmem>>
    %dma_wait3A_289 = tpu.memref_squeeze %dma_wait3A_288 : memref<1x64xi32, #tpu.memory_space<vmem>> -> memref<64xi32, #tpu.memory_space<vmem>>
    %dma_wait3A_290 = arith.constant 0 : i32
    %dma_wait3A_291 = arith.constant 0 : i32
    %dma_wait3A_292 = tpu.memref_slice %arg5[%dma_wait3A_290, %dma_wait3A_291] : memref<32768x128xf32, #tpu.memory_space<hbm>> -> memref<32768x128xf32, #tpu.memory_space<hbm>>
    tpu.wait_indirect_dma semaphore(%arg19 : memref<!tpu.dma_semaphore, #tpu.memory_space<semaphore_mem>>) src(%arg12 : memref<64x128xf32, #tpu.memory_space<vmem>>) dst(%dma_wait3A_292 : memref<32768x128xf32, #tpu.memory_space<hbm>>)
    %dma_start3A_293 = arith.constant 7 : i32
    %dma_start3A_294 = arith.constant 0 : i32
    %dma_start3A_295 = tpu.memref_slice %arg14[%dma_start3A_293, %dma_start3A_294] : memref<8x64xi32, #tpu.memory_space<vmem>> -> memref<1x64xi32, #tpu.memory_space<vmem>>
    %dma_start3A_296 = tpu.memref_squeeze %dma_start3A_295 : memref<1x64xi32, #tpu.memory_space<vmem>> -> memref<64xi32, #tpu.memory_space<vmem>>
    %dma_start3A_297 = arith.constant 0 : i32
    %dma_start3A_298 = arith.constant 0 : i32
    %dma_start3A_299 = tpu.memref_slice %arg3[%dma_start3A_297, %dma_start3A_298] : memref<32768x128xf32, #tpu.memory_space<hbm>> -> memref<32768x128xf32, #tpu.memory_space<hbm>>
    tpu.enqueue_indirect_dma source(%dma_start3A_299 : memref<32768x128xf32, #tpu.memory_space<hbm>>) target(%arg12 : memref<64x128xf32, #tpu.memory_space<vmem>>) offsets(%dma_start3A_296 : memref<64xi32, #tpu.memory_space<vmem>>) semaphore(%arg18 : memref<!tpu.dma_semaphore, #tpu.memory_space<semaphore_mem>>)
    %dma_wait3A_300 = arith.constant 7 : i32
    %dma_wait3A_301 = arith.constant 0 : i32
    %dma_wait3A_302 = tpu.memref_slice %arg14[%dma_wait3A_300, %dma_wait3A_301] : memref<8x64xi32, #tpu.memory_space<vmem>> -> memref<1x64xi32, #tpu.memory_space<vmem>>
    %dma_wait3A_303 = tpu.memref_squeeze %dma_wait3A_302 : memref<1x64xi32, #tpu.memory_space<vmem>> -> memref<64xi32, #tpu.memory_space<vmem>>
    %dma_wait3A_304 = arith.constant 0 : i32
    %dma_wait3A_305 = arith.constant 0 : i32
    %dma_wait3A_306 = tpu.memref_slice %arg3[%dma_wait3A_304, %dma_wait3A_305] : memref<32768x128xf32, #tpu.memory_space<hbm>> -> memref<32768x128xf32, #tpu.memory_space<hbm>>
    tpu.wait_indirect_dma semaphore(%arg18 : memref<!tpu.dma_semaphore, #tpu.memory_space<semaphore_mem>>) src(%dma_wait3A_306 : memref<32768x128xf32, #tpu.memory_space<hbm>>) dst(%arg12 : memref<64x128xf32, #tpu.memory_space<vmem>>)
    %dma_start3A_307 = arith.constant 7 : i32
    %dma_start3A_308 = arith.constant 0 : i32
    %dma_start3A_309 = tpu.memref_slice %arg15[%dma_start3A_307, %dma_start3A_308] : memref<8x64xi32, #tpu.memory_space<vmem>> -> memref<1x64xi32, #tpu.memory_space<vmem>>
    %dma_start3A_310 = tpu.memref_squeeze %dma_start3A_309 : memref<1x64xi32, #tpu.memory_space<vmem>> -> memref<64xi32, #tpu.memory_space<vmem>>
    %dma_start3A_311 = arith.constant 0 : i32
    %dma_start3A_312 = arith.constant 0 : i32
    %dma_start3A_313 = tpu.memref_slice %arg5[%dma_start3A_311, %dma_start3A_312] : memref<32768x128xf32, #tpu.memory_space<hbm>> -> memref<32768x128xf32, #tpu.memory_space<hbm>>
    tpu.enqueue_indirect_dma source(%arg12 : memref<64x128xf32, #tpu.memory_space<vmem>>) target(%dma_start3A_313 : memref<32768x128xf32, #tpu.memory_space<hbm>>) offsets(%dma_start3A_310 : memref<64xi32, #tpu.memory_space<vmem>>) semaphore(%arg19 : memref<!tpu.dma_semaphore, #tpu.memory_space<semaphore_mem>>)
    %dma_wait3A_314 = arith.constant 2 : i32
    %dma_wait3A_315 = arith.constant 0 : i32
    %dma_wait3A_316 = tpu.memref_slice %arg13[%dma_wait3A_314, %dma_wait3A_315] : memref<4x128xi32, #tpu.memory_space<vmem>> -> memref<1x128xi32, #tpu.memory_space<vmem>>
    %dma_wait3A_317 = tpu.memref_squeeze %dma_wait3A_316 : memref<1x128xi32, #tpu.memory_space<vmem>> -> memref<128xi32, #tpu.memory_space<vmem>>
    %dma_wait3A_318 = arith.constant 0 : i32
    %dma_wait3A_319 = arith.constant 0 : i32
    %dma_wait3A_320 = tpu.memref_slice %arg5[%dma_wait3A_318, %dma_wait3A_319] : memref<32768x128xf32, #tpu.memory_space<hbm>> -> memref<32768x128xf32, #tpu.memory_space<hbm>>
    tpu.wait_indirect_dma semaphore(%arg17 : memref<!tpu.dma_semaphore, #tpu.memory_space<semaphore_mem>>) src(%arg9 : memref<128x128xf32, #tpu.memory_space<vmem>>) dst(%dma_wait3A_320 : memref<32768x128xf32, #tpu.memory_space<hbm>>)
    %dma_wait3A_321 = arith.constant 3 : i32
    %dma_wait3A_322 = arith.constant 0 : i32
    %dma_wait3A_323 = tpu.memref_slice %arg13[%dma_wait3A_321, %dma_wait3A_322] : memref<4x128xi32, #tpu.memory_space<vmem>> -> memref<1x128xi32, #tpu.memory_space<vmem>>
    %dma_wait3A_324 = tpu.memref_squeeze %dma_wait3A_323 : memref<1x128xi32, #tpu.memory_space<vmem>> -> memref<128xi32, #tpu.memory_space<vmem>>
    %dma_wait3A_325 = arith.constant 0 : i32
    %dma_wait3A_326 = arith.constant 0 : i32
    %dma_wait3A_327 = tpu.memref_slice %arg5[%dma_wait3A_325, %dma_wait3A_326] : memref<32768x128xf32, #tpu.memory_space<hbm>> -> memref<32768x128xf32, #tpu.memory_space<hbm>>
    tpu.wait_indirect_dma semaphore(%arg17 : memref<!tpu.dma_semaphore, #tpu.memory_space<semaphore_mem>>) src(%arg10 : memref<128x128xf32, #tpu.memory_space<vmem>>) dst(%dma_wait3A_327 : memref<32768x128xf32, #tpu.memory_space<hbm>>)
    %dma_wait3A_328 = arith.constant 6 : i32
    %dma_wait3A_329 = arith.constant 0 : i32
    %dma_wait3A_330 = tpu.memref_slice %arg15[%dma_wait3A_328, %dma_wait3A_329] : memref<8x64xi32, #tpu.memory_space<vmem>> -> memref<1x64xi32, #tpu.memory_space<vmem>>
    %dma_wait3A_331 = tpu.memref_squeeze %dma_wait3A_330 : memref<1x64xi32, #tpu.memory_space<vmem>> -> memref<64xi32, #tpu.memory_space<vmem>>
    %dma_wait3A_332 = arith.constant 0 : i32
    %dma_wait3A_333 = arith.constant 0 : i32
    %dma_wait3A_334 = tpu.memref_slice %arg5[%dma_wait3A_332, %dma_wait3A_333] : memref<32768x128xf32, #tpu.memory_space<hbm>> -> memref<32768x128xf32, #tpu.memory_space<hbm>>
    tpu.wait_indirect_dma semaphore(%arg19 : memref<!tpu.dma_semaphore, #tpu.memory_space<semaphore_mem>>) src(%arg11 : memref<64x128xf32, #tpu.memory_space<vmem>>) dst(%dma_wait3A_334 : memref<32768x128xf32, #tpu.memory_space<hbm>>)
    %dma_wait3A_335 = arith.constant 7 : i32
    %dma_wait3A_336 = arith.constant 0 : i32
    %dma_wait3A_337 = tpu.memref_slice %arg15[%dma_wait3A_335, %dma_wait3A_336] : memref<8x64xi32, #tpu.memory_space<vmem>> -> memref<1x64xi32, #tpu.memory_space<vmem>>
    %dma_wait3A_338 = tpu.memref_squeeze %dma_wait3A_337 : memref<1x64xi32, #tpu.memory_space<vmem>> -> memref<64xi32, #tpu.memory_space<vmem>>
    %dma_wait3A_339 = arith.constant 0 : i32
    %dma_wait3A_340 = arith.constant 0 : i32
    %dma_wait3A_341 = tpu.memref_slice %arg5[%dma_wait3A_339, %dma_wait3A_340] : memref<32768x128xf32, #tpu.memory_space<hbm>> -> memref<32768x128xf32, #tpu.memory_space<hbm>>
    tpu.wait_indirect_dma semaphore(%arg19 : memref<!tpu.dma_semaphore, #tpu.memory_space<semaphore_mem>>) src(%arg12 : memref<64x128xf32, #tpu.memory_space<vmem>>) dst(%dma_wait3A_341 : memref<32768x128xf32, #tpu.memory_space<hbm>>)
    return
  }
}

</mosaic_0001>

<sc_bundles>
// kernel: _net.3.cloned.1.call-start
scs
__scs_entry_jumppad:
0x0: {  	(pc) =	sbr.rel $0x88, $3  }
0x1: {  	(tag) =	ssettag $0x0;
	lr =	simm.s32 $0x1  }
0x2: {  	[smem:$0x3F9E] =	sst lr;
	_ =	strace $0xD0000000  }
0x3: {  	_ = 	snop  }
0x4: {  	_ = 	snop  }
0x5: {  	_ = 	snop  }
0x6: {  	_ = 	snop  }
0x7: {  	_ = 	snop  }
__scs_overlays_trampoline_lowered:
0x8: {  	[smem:$0x3FAD] =	sst s0  }
0x9: {  	[smem:$0x3FAE] =	sst s1  }
0xa: {  	[smem:$0x3FAF] =	sst s2  }
0xb: {  	[smem:$0x3FB0] =	sst s3  }
0xc: {  	[smem:$0x3FB1] =	sst s4  }
0xd: {  	[smem:$0x3FB2] =	sst s5  }
0xe: {  	[smem:$0x3FB3] =	sst s6  }
0xf: {  	[smem:$0x3FB4] =	sst s7  }
0x10: {  	[smem:$0x3FB5] =	sst s8  }
0x11: {  	[smem:$0x3FB6] =	sst s9;
	s0 =	simm.s32 @!p0 $0x0  }
0x12: {  	s1 =	sld [smem:$0x3F9C];
	s0 =	simm.s32 @p0 $0x1  }
0x13: {  	[smem:$0x3FB7] =	sst s0;
	s0 =	simm.s32 @!p1 $0x0  }
0x14: {  	s2 =	sld [smem:$0x3F9B];
	s0 =	simm.s32 @p1 $0x1  }
0x15: {  	[smem:$0x3FB8] =	sst s0;
	s0 =	simm.s32 @!p2 $0x0  }
0x16: {  	s3 =	sld [smem:$0x3FDB];
	s0 =	simm.s32 @p2 $0x1  }
0x17: {  	s4 =	simm.s32 $0x1BF5;
	[smem:$0x3FBA] =	sst s0  }
0x18: {  	s0 =	sld [smem:$0x3F9D];
	_ =	swait.ge [sflag:s4], $0x0  }
0x19: {  	s7 =	sld [smem:$0x3F9E]  }
0x1a: {  	s8 =	sadd.s32 $0xFFFFE003, lr  }
0x1b: {  	s9 =	sadd.s32 $0xFFFFFEF7, lr;
	s5 =	simm.s32 $0xFFFFFFFF;
	p2 =	slt.u32 s8, $0xFFFFF086  }
0x1c: {  	p1 =	slt.u32 s9, $0xF7A;
	s5 =	simm.s32 @!p2 $0x0  }
0x1d: {  	s5 =	simm.s32 @p1 $0x1;
	p0 =	seq.s32 s7, s2  }
0x1e: {  	s7 =	smul.u32 @!p0 $0xF7A, s2;
	p2 =	seq.s32 @!p0 s5, $0x0  }
0x1f: {  	s9 =	smul.u32 $0xF7A, s1;
	s8 =	simm.s32 @!p0 $0x1BF5;
	p2 =	por !p2, p0  }
0x20: {  	[sflag:s8] =	ssyncset.s32 @!p0 $0xFFFFF086;
	s6 =	sadd.s32 @!p0 s3, s7;
	s7 =	simm.s32 @!p0 $0x108  }
0x21: {  	s3 =	sadd.s32 s3, s9;
	s6 =	sadd.s32 @!p0 $0x88, s6;
	s7 =	simm.s32 @p2 $0x1082  }
0x22: {  	[simem:s7], [sflag:s8] =	dma.local @!p0 [hbm:s6], $0xF7A  }
0x23: {  	s9 =	sor.u32 $0xD0000000, s2;
	s6 =	simm.s32 $0x108;
	_ =	swait.ge @!p0 [sflag:s8], $0x0  }
0x24: {  	s3 =	sadd.s32 $0x88, s3;
	s6 =	simm.s32 @!p1 $0x1082;
	[sflag:s4] =	ssyncset.s32 $0xFFFFF086  }
0x25: {  	[simem:s6], [sflag:s4] =	dma.local [hbm:s3], $0xF7A  }
0x26: {  	[smem:$0x3F9E] =	sst s1;
	(tag) =	ssettag s2;
	_ =	strace s9  }
0x27: {  	s1 =	sld [smem:$0x3FAE]  }
0x28: {  	s2 =	sld [smem:$0x3FAF]  }
0x29: {  	s4 =	sld [smem:$0x3FB1]  }
0x2a: {  	p0 =	seq.s32 s5, $0x0;
	s5 =	sld [smem:$0x3FB2]  }
0x2b: {  	s6 =	sld [smem:$0x3FB3]  }
0x2c: {  	s7 =	sld [smem:$0x3FB4]  }
0x2d: {  	s3 =	simm.s32 $0x108;
	s8 =	sld [smem:$0x3FB5]  }
0x2e: {  	s3 =	simm.s32 @!p0 $0x1082;
	s9 =	sld [smem:$0x3FB6]  }
0x2f: {  	lr =	sadd.s32 s0, s3;
	s0 =	sld [smem:$0x3FAD]  }
0x30: {  	s3 =	sld [smem:$0x3FB0]  }
0x31: {  	[smem:$0x3FB9] =	sst s10  }
0x32: {  	s10 =	sld [smem:$0x3FB7];
	_ =	sdelay $0x3  }
0x33: {  	p0 =	seq.s32 s10, $0x1;
	s10 =	sld [smem:$0x3FB9];
	_ =	sdelay $0x3  }
0x34: {  	[smem:$0x3FB9] =	sst s10  }
0x35: {  	s10 =	sld [smem:$0x3FB8];
	_ =	sdelay $0x3  }
0x36: {  	p1 =	seq.s32 s10, $0x1;
	s10 =	sld [smem:$0x3FB9];
	_ =	sdelay $0x3  }
0x37: {  	[smem:$0x3FB9] =	sst s10  }
0x38: {  	s10 =	sld [smem:$0x3FBA]  }
0x39: {  	_ = 	snop;
	(pc) =	sbr.ind lr, $3  }
0x3a: {  	_ = 	snop  }
0x3b: {  	_ = 	snop  }
0x3c: {  	p2 =	seq.s32 s10, $0x1;
	s10 =	sld [smem:$0x3FB9]  }
0x3d: {  	_ =	shalt  }
0x3e: {  	_ =	shalt  }
0x3f: {  	_ =	shalt  }
0x40: {  	_ =	shalt  }
0x41: {  	_ =	shalt  }
0x42: {  	_ =	shalt  }
0x43: {  	_ =	shalt  }
0x44: {  	_ =	shalt  }
0x45: {  	_ =	shalt  }
0x46: {  	_ =	shalt  }
0x47: {  	_ =	shalt  }
0x48: {  	_ =	shalt  }
0x49: {  	_ =	shalt  }
0x4a: {  	_ =	shalt  }
0x4b: {  	_ =	shalt  }
0x4c: {  	_ =	shalt  }
0x4d: {  	_ =	shalt  }
0x4e: {  	_ =	shalt  }
0x4f: {  	_ =	shalt  }
0x50: {  	_ =	shalt  }
0x51: {  	_ =	shalt  }
0x52: {  	_ =	shalt  }
0x53: {  	_ =	shalt  }
0x54: {  	_ =	shalt  }
0x55: {  	_ =	shalt  }
0x56: {  	_ =	shalt  }
0x57: {  	_ =	shalt  }
0x58: {  	_ =	shalt  }
0x59: {  	_ =	shalt  }
0x5a: {  	_ =	shalt  }
0x5b: {  	_ =	shalt  }
0x5c: {  	_ =	shalt  }
0x5d: {  	_ =	shalt  }
0x5e: {  	_ =	shalt  }
0x5f: {  	_ =	shalt  }
0x60: {  	_ =	shalt  }
0x61: {  	_ =	shalt  }
0x62: {  	_ =	shalt  }
0x63: {  	_ =	shalt  }
0x64: {  	_ =	shalt  }
0x65: {  	_ =	shalt  }
0x66: {  	_ =	shalt  }
0x67: {  	_ =	shalt  }
0x68: {  	_ =	shalt  }
0x69: {  	_ =	shalt  }
0x6a: {  	_ =	shalt  }
0x6b: {  	_ =	shalt  }
0x6c: {  	_ =	shalt  }
0x6d: {  	_ =	shalt  }
0x6e: {  	_ =	shalt  }
0x6f: {  	_ =	shalt  }
0x70: {  	_ =	shalt  }
0x71: {  	_ =	shalt  }
0x72: {  	_ =	shalt  }
0x73: {  	_ =	shalt  }
0x74: {  	_ =	shalt  }
0x75: {  	_ =	shalt  }
0x76: {  	_ =	shalt  }
0x77: {  	_ =	shalt  }
0x78: {  	_ =	shalt  }
0x79: {  	_ =	shalt  }
0x7a: {  	_ =	shalt  }
0x7b: {  	_ =	shalt  }
0x7c: {  	_ =	shalt  }
0x7d: {  	_ =	shalt  }
0x7e: {  	_ =	shalt  }
0x7f: {  	_ =	shalt  }
0x80: {  	_ =	shalt  }
0x81: {  	_ =	shalt  }
0x82: {  	_ =	shalt  }
0x83: {  	_ =	shalt  }
0x84: {  	_ =	shalt  }
0x85: {  	_ =	shalt  }
0x86: {  	_ =	shalt  }
0x87: {  	_ =	shalt  }
.Lfunc_end0:
.L_simem_size_0:
called_computation_lowered:
.L_overlay_start_0:
0x88: {  	s2 =	sld [smem:$0x3FD9]  }
0x89: {  	s3 =	sld [smem:$0x3FFE];
	_ =	sdelay $0x1  }
0x8a: {  	s1 =	srdreg.scid  }
0x8b: {  	s0 =	sand.u32 $0x1, s1  }
0x8c: {  	s18 =	sshll.u32 s0, $0xA;
	s2 =	sadd.s32 s3, s2  }
0x8d: {  	s2 =	sadd.s32 s2, s18  }
0x8e: {  	[smem:$0x3FC5] =	sst s2  }
0x8f: {  	_ = 	snop  }
0x90: {  	s2 =	sld [smem:$0x3FC9]  }
0x91: {  	s19 =	sld [smem:$0x3FC8]  }
0x92: {  	s4 =	sld [smem:$0x3FC7]  }
0x93: {  	s5 =	sld [smem:$0x3FD0];
	(tm) =	ssettm $0x1  }
0x94: {  	s6 =	sld [smem:$0x3FFB];
	_ =	sdelay $0x3  }
0x95: {  	_ =	strace s6  }
0x96: {  	s6 =	sld [smem:$0x3FFC];
	_ =	sdelay $0x3  }
0x97: {  	_ =	strace s6  }
0x98: {  	s6 =	sld [smem:$0x3FFD];
	_ =	sdelay $0x3  }
0x99: {  	_ =	strace s6  }
0x9a: {  	_ =	strace $0x8FFFFFFF  }
0x9b: {  	s20 =	sld [smem:$0x3FDB];
	_ =	sdelay $0x1  }
0x9c: {  	s7 =	simm.s32 $_scs_section_size  }
0x9d: {  	s8 =	simm.s32 $_size__tile_overlayer_lowered;
	s9 =	simm.s32 $_tile_overlayer_lowered  }
0x9e: {  	s23 =	simm.s32 $0x1BFF;
	s22 =	sshll.u32 s9, $0x1;
	s6 =	sadd.s32 s7, s20  }
0x9f: {  	s10 =	simm.s32 $0x0;
	s21 =	sshll.u32 s8, $0x1;
	s8 =	sadd.s32 s22, s6  }
0xa0: {  	[timem:s10], [sflag:s23] =	dma.local [hbm:s8], s21  }
0xa1: {  	_ =	swait.ge [sflag:s23], s21  }
0xa2: {  	s7 =	ssub.s32 $0x0, s21;
	[sflag:s23] =	ssyncset.done $0x0  }
0xa3: {  	[sflag:s23] =	ssyncadd.s32 s7;
	_ =	sdelay $0x1  }
0xa4: {  	s24 =	simm.s32 $0x1B8B  }
0xa5: {  	_ =	swait.ge [sflag:s24], $0x1  }
0xa6: {  	[sflag:s24] =	ssyncset.done $0x0  }
0xa7: {  	s25 =	simm.s32 $0x1B8E;
	[sflag:s24] =	ssyncadd.s32 $0xFFFFFFFF  }
0xa8: {  	s26 =	simm.s32 $execute0_lowered;
	[smem:$0x3FD2] =	sst s25  }
0xa9: {  	s7 =	sshll.u32 s26, $0x1;
	_ =	strace $0x80000046;
	[dreg:$0x1] =	wrdreg $0xFFFFFFFF  }
0xaa: {  	s28 =	simm.s32 $_size_execute0_lowered;
	s6 =	sadd.s32 s6, s7;
	[dreg:$0x0] =	wrdreg $0x0  }
0xab: {  	s7 =	sshll.u32 s28, $0x1;
	[dreg:$0x2] =	wrdreg s6  }
0xac: {  	[dreg:$0x3] =	wrdreg s7  }
0xad: {  	[dreg:$0x4] =	wrdreg $0xC0  }
0xae: {  	_ =	task [dreg:s10], $0x5FFFF  }
0xaf: {  	[dreg:$0x1] =	wrdreg $0xFFFFFFFF  }
0xb0: {  	[dreg:$0x0] =	wrdreg $0x60  }
0xb1: {  	[dreg:$0x2] =	wrdreg s2  }
0xb2: {  	[dreg:$0x3] =	wrdreg s19  }
0xb3: {  	[dreg:$0x4] =	wrdreg s4  }
0xb4: {  	[dreg:$0x5] =	wrdreg s5  }
0xb5: {  	[dreg:$0x6] =	wrdreg $0x9  }
0xb6: {  	_ =	task.clear_ibuf [dreg:s10], $0x7FFFF;
	_ =	strace $0x90000046  }
0xb7: {  	s29 =	simm.s32 $0x9;
	_ =	strace $0x80000048  }
0xb8: {  	_ =	swait.ge [sflag:s29], $0x1  }
0xb9: {  	[sflag:s29] =	ssyncadd.s32 $0xFFFFFFFF  }
0xba: {  	_ =	strace $0x90000048  }
0xbb: {  	_ =	sfence  }
0xbc: {  	s30 =	sld [smem:$0x0];
	_ =	sdelay $0x2  }
0xbd: {  	s31 =	sshll.u32 s1, $0xD;
	s1 =	sshrl.u32 s1, $0x2  }
0xbe: {  	s3 =	sand.u32 $0x4000, s31;
	s1 =	sadd.s32 s1, s30  }
0xbf: {  	s0 =	sor.u32 s3, s0;
	s1 =	sshll.u32 s1, $0x11  }
0xc0: {  	s0 =	sor.u32 s1, s0  }
0xc1: {  	s0 =	sadd.s32 $0x8F2B, s0  }
0xc2: {  	[sflag:s0] =	ssyncadd.remote.s32 $0x1  }
0xc3: {  	_ =	sfence.sel $0xFFFF  }
0xc4: {  	[dreg:$0x0] =	wrdreg $0xFFFFFFFF;
	(pc) =	sbr.abs _section_cstart, $3  }
0xc5: {  	[dreg:$0x1] =	wrdreg $0xFFFFFFFF  }
0xc6: {  	_ =	task.clear_ibuf [dreg:s10], $0x2FFFF;
	_ =	strace $0x9FFFFFFF  }
0xc7: {  	(tm) =	ssettm $0x7FFFFFFF  }
tec
execute0_lowered:
.L_overlay_start_1:
0x0: {  	(tag) =	ssettag $0x1  }
0x1: {  	s2 =	srdreg.scid;
	s11 =	stileid.u32  }
0x2: {  	s2 =	sand.u32 $0x1, s2;
	s3 =	sshll.u32 s11, $0x1  }
0x3: {  	s4 =	sor.u32 s2, s3  }
0x4: {  	p1 =	seq.s32 s2, $0x1;
	p0 =	seq.s32 s4, $0x0  }
0x5: {  	s0 =	rddreg [dreg:$0x0];
	p0 =	por !p0, !p1  }
0x6: {  	s1 =	rddreg [dreg:$0x1];
	s5 =	simm.s32 $0x1;
	p0 =	por !p0, !p0  }
0x7: {  	s6 =	rddreg [dreg:$0x2];
	s12 =	simm.s32 $0x5;
	s5 =	simm.s32 @!p0 $0x0  }
0x8: {  	s13 =	simm.s32 $0x80;
	s30 =	simm.s32 $0x40;
	s14 =	ssub.s32 s11, s5  }
0x9: {  	s31 =	simm.s32 $0x3;
	s16 =	simm.s32 $0x1A080;
	s17 =	simm.s32 $0x10080;
	v0 =	vmov s14  }
0xa: {  	s20 =	simm.s32 $0x4;
	s22 =	simm.s32 $0x14080;
	s29 =	simm.s32 $0x2;
	v1 =	vadd.s32 $0x10, v0  }
0xb: {  	vm0 =	vmmov $0xffff;
	s24 =	simm.s32 $0x1C980;
	s28 =	simm.s32 $0x0;
	s7 =	ssub.s32 $0x2, s2;
	v0 =	vlaneseq.u32;
	v1 =	vbroadcast v1, $0x0  }
0xc: {  	s3 =	rddreg [dreg:$0x3];
	s4 =	simm.s32 $0x0;
	s8 =	sshrl.u32 s7, $0x1;
	v3 =	vshrl.u32 v0, $0x3;
	v2 =	vand.u32 $0x7, v0;
	v4 =	vmul.u32 $0x80, v0  }
0xd: {  	s26 =	sshll.u32 s11, $0xB;
	[smem:$0x7FF] =	sst s4;
	s10 =	ssub.s32 s7, s8;
	v5 =	vor.u32 $0x8, v0;
	v6 =	vmul.u32 $0x20, v0;
	v7 =	vor.u32 $0x10, v0  }
0xe: {  	s7 =	simm.s32 $0x1;
	_ =	strace $0x80000047;
	s10 =	smax.u32 s10, $0x1;
	v9 =	vor.u32 $0x20, v0;
	v11 =	vor.u32 $0x30, v0;
	v13 =	vor.u32 $0x40, v0  }
0xf: {  	s5 =	sshll.u32 s2, $0x9;
	s2 =	sshll.u32 s2, $0xA;
	s9 =	sshll.u32 s14, $0x4;
	v15 =	vor.u32 $0x50, v0;
	v17 =	vor.u32 $0x60, v0;
	v19 =	vor.u32 $0x70, v0  }
0x10: {  	s6 =	sadd.s32 s6, s5;
	s11 =	sor.u32 s2, s26;
	s2 =	simm.s32 $0x18080;
	v21 =	vor.u32 $0x400, v0;
	v3 =	vmul.u32 $0x8, v3;
	v8 =	vor.u32 $0x800, v4  }
0x11: {  	s26 =	simm.s32 $0x1CA00;
	s25 =	sand.u32 $0x1FFFFFF0, s9;
	s9 =	sadd.s32 $0x100, s6;
	v10 =	vor.u32 $0x1000, v4;
	v12 =	vor.u32 $0x1800, v4;
	v14 =	vor.u32 $0x2000, v4  }
0x12: {  	s8 =	sadd.s32 s0, s25;
	s0 =	simm.s32 $0x8080;
	s25 =	simm.s32 $0x1C600;
	v16 =	vor.u32 $0x2800, v4;
	v18 =	vor.u32 $0x3000, v4;
	v20 =	vor.u32 $0x3800, v4  }
.LBB2_1:
0x13: {  	[tilespmem:s4], [sflag:$0x5] =	stream.linear.gather [hbm4b:s8+s4], $0x80, $0x38;
	[tilespmem:$0x1CA80] =	vst v63  }
0x14: {  	_ =	swait.ge [sflag:s12], $0x80  }
0x15: {  	[sflag:s12] =	ssyncset.done $0x0  }
0x16: {  	[sflag:s12] =	ssyncadd.s32 $0xFFFFFF80  }
0x17: {  	v22 =	vld [tilespmem:$0x0];
	_ =	sdelay $0x4  }
0x18: {  	v23 =	vshll.u32 v22, $0x3  }
0x19: {  	v22 =	vand.u32 $0x7, v22;
	v23 =	vand.u32 $0xFFFFFFC0, v23  }
0x1a: {  	v22 =	vor.u32 v22, v23  }
0x1b: {  	v23 =	vperm.xlane v22, v2;
	_ =	sdelay $0x1  }
0x1c: {  	v22 =	vperm.xlane v22, v5;
	v23 =	vadd.s32 v3, v23;
	_ =	sdelay $0x1  }
0x1d: {  	v22 =	vadd.s32 v3, v22;
	_ =	sdelay $0x2  }
0x1e: {  	[tilespmem:s13], [sflag:$0x1] =	stream.indirect_vreg.gather [hbm4b:s6+s4], $0x80, v23, vm0, $0xb8;
	[tilespmem:$0x1CA80] =	vst v63  }
0x1f: {  	s14 =	simm.s32 $0x880  }
0x20: {  	[tilespmem:s14], [sflag:$0x1] =	stream.indirect_vreg.gather [hbm4b:s6+s4], $0x80, v22, vm0, $0xb8;
	[tilespmem:$0x1CA80] =	vst v63  }
0x21: {  	v22 =	vld [tilespmem:$0x10];
	_ =	sdelay $0x4  }
0x22: {  	v23 =	vshll.u32 v22, $0x3  }
0x23: {  	v22 =	vand.u32 $0x7, v22;
	v23 =	vand.u32 $0xFFFFFFC0, v23  }
0x24: {  	v22 =	vor.u32 v22, v23  }
0x25: {  	v23 =	vperm.xlane v22, v2;
	_ =	sdelay $0x1  }
0x26: {  	v22 =	vperm.xlane v22, v5;
	v23 =	vadd.s32 v3, v23;
	_ =	sdelay $0x1  }
0x27: {  	v22 =	vadd.s32 v3, v22;
	_ =	sdelay $0x1  }
0x28: {  	s18 =	simm.s32 $0x1080  }
0x29: {  	[tilespmem:s18], [sflag:$0x1] =	stream.indirect_vreg.gather [hbm4b:s6+s4], $0x80, v23, vm0, $0xb8;
	[tilespmem:$0x1CA80] =	vst v63  }
0x2a: {  	s19 =	simm.s32 $0x1880  }
0x2b: {  	[tilespmem:s19], [sflag:$0x1] =	stream.indirect_vreg.gather [hbm4b:s6+s4], $0x80, v22, vm0, $0xb8;
	[tilespmem:$0x1CA80] =	vst v63  }
0x2c: {  	v22 =	vld [tilespmem:$0x20];
	_ =	sdelay $0x4  }
0x2d: {  	v23 =	vshll.u32 v22, $0x3  }
0x2e: {  	v22 =	vand.u32 $0x7, v22;
	v23 =	vand.u32 $0xFFFFFFC0, v23  }
0x2f: {  	v22 =	vor.u32 v22, v23  }
0x30: {  	v23 =	vperm.xlane v22, v2;
	_ =	sdelay $0x1  }
0x31: {  	v22 =	vperm.xlane v22, v5;
	v23 =	vadd.s32 v3, v23;
	_ =	sdelay $0x1  }
0x32: {  	v22 =	vadd.s32 v3, v22;
	_ =	sdelay $0x1  }
0x33: {  	s21 =	simm.s32 $0x2080  }
0x34: {  	[tilespmem:s21], [sflag:$0x1] =	stream.indirect_vreg.gather [hbm4b:s6+s4], $0x80, v23, vm0, $0xb8;
	[tilespmem:$0x1CA80] =	vst v63  }
0x35: {  	s23 =	simm.s32 $0x2880  }
0x36: {  	[tilespmem:s23], [sflag:$0x1] =	stream.indirect_vreg.gather [hbm4b:s6+s4], $0x80, v22, vm0, $0xb8;
	[tilespmem:$0x1CA80] =	vst v63  }
0x37: {  	v22 =	vld [tilespmem:$0x30];
	_ =	sdelay $0x4  }
0x38: {  	v23 =	vshll.u32 v22, $0x3  }
0x39: {  	v22 =	vand.u32 $0x7, v22;
	v23 =	vand.u32 $0xFFFFFFC0, v23  }
0x3a: {  	v22 =	vor.u32 v22, v23  }
0x3b: {  	v23 =	vperm.xlane v22, v2;
	_ =	sdelay $0x1  }
0x3c: {  	v22 =	vperm.xlane v22, v5;
	v23 =	vadd.s32 v3, v23;
	_ =	sdelay $0x1  }
0x3d: {  	v22 =	vadd.s32 v3, v22;
	_ =	sdelay $0x1  }
0x3e: {  	s15 =	simm.s32 $0x3080  }
0x3f: {  	[tilespmem:s15], [sflag:$0x1] =	stream.indirect_vreg.gather [hbm4b:s6+s4], $0x80, v23, vm0, $0xb8;
	[tilespmem:$0x1CA80] =	vst v63  }
0x40: {  	s18 =	simm.s32 $0x3880  }
0x41: {  	[tilespmem:s18], [sflag:$0x1] =	stream.indirect_vreg.gather [hbm4b:s6+s4], $0x80, v22, vm0, $0xb8;
	[tilespmem:$0x1CA80] =	vst v63  }
0x42: {  	v22 =	vld [tilespmem:$0x40];
	_ =	sdelay $0x4  }
0x43: {  	v23 =	vshll.u32 v22, $0x3  }
0x44: {  	v22 =	vand.u32 $0x7, v22;
	v23 =	vand.u32 $0xFFFFFFC0, v23  }
0x45: {  	v22 =	vor.u32 v22, v23  }
0x46: {  	v23 =	vperm.xlane v22, v2;
	_ =	sdelay $0x1  }
0x47: {  	v22 =	vperm.xlane v22, v5;
	v23 =	vadd.s32 v3, v23;
	_ =	sdelay $0x1  }
0x48: {  	v22 =	vadd.s32 v3, v22;
	_ =	sdelay $0x1  }
0x49: {  	s19 =	simm.s32 $0x4080  }
0x4a: {  	[tilespmem:s19], [sflag:$0x1] =	stream.indirect_vreg.gather [hbm4b:s6+s4], $0x80, v23, vm0, $0xb8;
	[tilespmem:$0x1CA80] =	vst v63  }
0x4b: {  	s21 =	simm.s32 $0x4880  }
0x4c: {  	[tilespmem:s21], [sflag:$0x1] =	stream.indirect_vreg.gather [hbm4b:s6+s4], $0x80, v22, vm0, $0xb8;
	[tilespmem:$0x1CA80] =	vst v63  }
0x4d: {  	v22 =	vld [tilespmem:$0x50];
	_ =	sdelay $0x4  }
0x4e: {  	v23 =	vshll.u32 v22, $0x3  }
0x4f: {  	v22 =	vand.u32 $0x7, v22;
	v23 =	vand.u32 $0xFFFFFFC0, v23  }
0x50: {  	v22 =	vor.u32 v22, v23  }
0x51: {  	v23 =	vperm.xlane v22, v2;
	_ =	sdelay $0x1  }
0x52: {  	v22 =	vperm.xlane v22, v5;
	v23 =	vadd.s32 v3, v23;
	_ =	sdelay $0x1  }
0x53: {  	v22 =	vadd.s32 v3, v22;
	_ =	sdelay $0x1  }
0x54: {  	s23 =	simm.s32 $0x5080  }
0x55: {  	[tilespmem:s23], [sflag:$0x1] =	stream.indirect_vreg.gather [hbm4b:s6+s4], $0x80, v23, vm0, $0xb8;
	[tilespmem:$0x1CA80] =	vst v63  }
0x56: {  	s15 =	simm.s32 $0x5880  }
0x57: {  	[tilespmem:s15], [sflag:$0x1] =	stream.indirect_vreg.gather [hbm4b:s6+s4], $0x80, v22, vm0, $0xb8;
	[tilespmem:$0x1CA80] =	vst v63  }
0x58: {  	v22 =	vld [tilespmem:$0x60];
	_ =	sdelay $0x4  }
0x59: {  	v23 =	vshll.u32 v22, $0x3  }
0x5a: {  	v22 =	vand.u32 $0x7, v22;
	v23 =	vand.u32 $0xFFFFFFC0, v23  }
0x5b: {  	v22 =	vor.u32 v22, v23  }
0x5c: {  	v23 =	vperm.xlane v22, v2;
	_ =	sdelay $0x1  }
0x5d: {  	v22 =	vperm.xlane v22, v5;
	v23 =	vadd.s32 v3, v23;
	_ =	sdelay $0x1  }
0x5e: {  	v22 =	vadd.s32 v3, v22;
	_ =	sdelay $0x1  }
0x5f: {  	s18 =	simm.s32 $0x6080  }
0x60: {  	[tilespmem:s18], [sflag:$0x1] =	stream.indirect_vreg.gather [hbm4b:s6+s4], $0x80, v23, vm0, $0xb8;
	[tilespmem:$0x1CA80] =	vst v63  }
0x61: {  	s19 =	simm.s32 $0x6880  }
0x62: {  	[tilespmem:s19], [sflag:$0x1] =	stream.indirect_vreg.gather [hbm4b:s6+s4], $0x80, v22, vm0, $0xb8;
	[tilespmem:$0x1CA80] =	vst v63  }
0x63: {  	v22 =	vld [tilespmem:$0x70];
	_ =	sdelay $0x4  }
0x64: {  	v23 =	vshll.u32 v22, $0x3  }
0x65: {  	v22 =	vand.u32 $0x7, v22;
	v23 =	vand.u32 $0xFFFFFFC0, v23  }
0x66: {  	v22 =	vor.u32 v22, v23  }
0x67: {  	v23 =	vperm.xlane v22, v2;
	_ =	sdelay $0x1  }
0x68: {  	v22 =	vperm.xlane v22, v5;
	v23 =	vadd.s32 v3, v23;
	_ =	sdelay $0x1  }
0x69: {  	v22 =	vadd.s32 v3, v22;
	_ =	sdelay $0x1  }
0x6a: {  	s21 =	simm.s32 $0x7080  }
0x6b: {  	[tilespmem:s21], [sflag:$0x1] =	stream.indirect_vreg.gather [hbm4b:s6+s4], $0x80, v23, vm0, $0xb8;
	[tilespmem:$0x1CA80] =	vst v63  }
0x6c: {  	s14 =	simm.s32 $0x0;
	s23 =	simm.s32 $0x7880;
	s15 =	simm.s32 $0x0  }
0x6d: {  	[tilespmem:s23], [sflag:$0x1] =	stream.indirect_vreg.gather [hbm4b:s6+s4], $0x80, v22, vm0, $0xb8;
	[tilespmem:$0x1CA80] =	vst v63  }
.LBB2_2:
0x6e: {  	p0 =	sne.s32 s15, $0x1F0  }
.Ltmp0:
0x6f: {  	s18 =	sadd.s32 s14, s11;
	(pc) =	sbr.rel @p0 .LBB2_2-.Ltmp0, $4  }
0x70: {  	s19 =	sand.u32 $0x30, s15;
	s23 =	sand.u32 $0x380, s14;
	s21 =	sadd.s32 $0x10, s18  }
0x71: {  	s19 =	sor.u32 s19, s23;
	v22 =	vor.u32 s21, v0  }
0x72: {  	[tilespmem:s19+$0x1C280] =	vst v22;
	v22 =	vor.u32 s18, v0  }
0x73: {  	s14 =	sadd.s32 $0x20, s14;
	s15 =	sadd.s32 $0x10, s15;
	[tilespmem:s19+$0x1C680] =	vst v22  }
0x74: {  	s15 =	sadd.s32 $0x0, s5  }
0x75: {  	s14 =	simm.s32 $0x0;
	v22 =	vmov s15  }
0x76: {  	s23 =	sand.u32 $0x600, s14;
	v22 =	vshll.u32 v22, $0x5  }
0x77: {  	s18 =	sand.u32 $0x70, s14;
	s19 =	sshrl.u32 s23, $0x2;
	v22 =	vor.u32 v6, v22  }
0x78: {  	s15 =	simm.s32 $0x40;
	s18 =	sor.u32 s18, s19;
	v22 =	vadd.s32 v22, v1  }
.LBB2_4:
0x79: {  	p0 =	sne.s32 s15, $0x7C0  }
0x7a: {  	[tilespmem:s18+$0x1C080] =	vst v22;
	s14 =	sadd.s32 $0x10, s14;
	s18 =	smov.u32 s15;
	s15 =	sadd.s32 $0x40, s15  }
.Ltmp1:
0x7b: {  	s19 =	sadd.s32 s14, s5;
	(pc) =	sbr.rel @p0 .LBB2_4-.Ltmp1, $4  }
0x7c: {  	v22 =	vmov s19  }
0x7d: {  	s18 =	sand.u32 $0x600, s18;
	v22 =	vshll.u32 v22, $0x5  }
0x7e: {  	s19 =	sand.u32 $0x70, s14;
	s18 =	sshrl.u32 s18, $0x2;
	v22 =	vor.u32 v6, v22  }
0x7f: {  	s18 =	sor.u32 s19, s18;
	v22 =	vadd.s32 v22, v1  }
0x80: {  	[tilespmem:s18+$0x1C080] =	vst v22;
	s14 =	simm.s32 $0x1C280  }
0x81: {  	[tilespmem:s2], [sflag:$0x3] =	stream.indirect.gather [hbm4b:s1+s30], $0x80, s14, s30, $0xb8;
	[tilespmem:$0x1CA80] =	vst v63  }
0x82: {  	v22 =	vld [tilespmem:$0x0];
	_ =	sdelay $0x4  }
0x83: {  	v23 =	vshll.u32 v22, $0x3  }
0x84: {  	v22 =	vand.u32 $0x7, v22;
	v23 =	vand.u32 $0xFFFFFFC0, v23  }
0x85: {  	v22 =	vor.u32 v22, v23  }
0x86: {  	v23 =	vperm.xlane v22, v2;
	_ =	sdelay $0x1  }
0x87: {  	v22 =	vperm.xlane v22, v5;
	v23 =	vadd.s32 v3, v23;
	_ =	sdelay $0x1  }
0x88: {  	v22 =	vadd.s32 v3, v22;
	_ =	sdelay $0x1  }
0x89: {  	s14 =	simm.s32 $0x0  }
0x8a: {  	[tilespmem:s0], [sflag:$0x1] =	stream.indirect_vreg.gather [hbm4b:s9+s14], $0x80, v23, vm0, $0xb8;
	[tilespmem:$0x1CA80] =	vst v63  }
0x8b: {  	s15 =	simm.s32 $0x8880  }
0x8c: {  	[tilespmem:s15], [sflag:$0x1] =	stream.indirect_vreg.gather [hbm4b:s9+s14], $0x80, v22, vm0, $0xb8;
	[tilespmem:$0x1CA80] =	vst v63  }
0x8d: {  	v22 =	vld [tilespmem:$0x10];
	_ =	sdelay $0x4  }
0x8e: {  	v23 =	vshll.u32 v22, $0x3  }
0x8f: {  	v22 =	vand.u32 $0x7, v22;
	v23 =	vand.u32 $0xFFFFFFC0, v23  }
0x90: {  	v22 =	vor.u32 v22, v23  }
0x91: {  	v23 =	vperm.xlane v22, v2;
	_ =	sdelay $0x1  }
0x92: {  	v22 =	vperm.xlane v22, v5;
	v23 =	vadd.s32 v3, v23;
	_ =	sdelay $0x1  }
0x93: {  	v22 =	vadd.s32 v3, v22;
	_ =	sdelay $0x1  }
0x94: {  	s18 =	simm.s32 $0x9080  }
0x95: {  	[tilespmem:s18], [sflag:$0x1] =	stream.indirect_vreg.gather [hbm4b:s9+s14], $0x80, v23, vm0, $0xb8;
	[tilespmem:$0x1CA80] =	vst v63  }
0x96: {  	s19 =	simm.s32 $0x9880  }
0x97: {  	[tilespmem:s19], [sflag:$0x1] =	stream.indirect_vreg.gather [hbm4b:s9+s14], $0x80, v22, vm0, $0xb8;
	[tilespmem:$0x1CA80] =	vst v63  }
0x98: {  	v22 =	vld [tilespmem:$0x20];
	_ =	sdelay $0x4  }
0x99: {  	v23 =	vshll.u32 v22, $0x3  }
0x9a: {  	v22 =	vand.u32 $0x7, v22;
	v23 =	vand.u32 $0xFFFFFFC0, v23  }
0x9b: {  	v22 =	vor.u32 v22, v23  }
0x9c: {  	v23 =	vperm.xlane v22, v2;
	_ =	sdelay $0x1  }
0x9d: {  	v22 =	vperm.xlane v22, v5;
	v23 =	vadd.s32 v3, v23;
	_ =	sdelay $0x1  }
0x9e: {  	v22 =	vadd.s32 v3, v22;
	_ =	sdelay $0x1  }
0x9f: {  	s21 =	simm.s32 $0xA080  }
0xa0: {  	[tilespmem:s21], [sflag:$0x1] =	stream.indirect_vreg.gather [hbm4b:s9+s14], $0x80, v23, vm0, $0xb8;
	[tilespmem:$0x1CA80] =	vst v63  }
0xa1: {  	s23 =	simm.s32 $0xA880  }
0xa2: {  	[tilespmem:s23], [sflag:$0x1] =	stream.indirect_vreg.gather [hbm4b:s9+s14], $0x80, v22, vm0, $0xb8;
	[tilespmem:$0x1CA80] =	vst v63  }
0xa3: {  	v22 =	vld [tilespmem:$0x30];
	_ =	sdelay $0x4  }
0xa4: {  	v23 =	vshll.u32 v22, $0x3  }
0xa5: {  	v22 =	vand.u32 $0x7, v22;
	v23 =	vand.u32 $0xFFFFFFC0, v23  }
0xa6: {  	v22 =	vor.u32 v22, v23  }
0xa7: {  	v23 =	vperm.xlane v22, v2;
	_ =	sdelay $0x1  }
0xa8: {  	v22 =	vperm.xlane v22, v5;
	v23 =	vadd.s32 v3, v23;
	_ =	sdelay $0x1  }
0xa9: {  	v22 =	vadd.s32 v3, v22;
	_ =	sdelay $0x1  }
0xaa: {  	s18 =	simm.s32 $0xB080  }
0xab: {  	[tilespmem:s18], [sflag:$0x1] =	stream.indirect_vreg.gather [hbm4b:s9+s14], $0x80, v23, vm0, $0xb8;
	[tilespmem:$0x1CA80] =	vst v63  }
0xac: {  	s19 =	simm.s32 $0xB880  }
0xad: {  	[tilespmem:s19], [sflag:$0x1] =	stream.indirect_vreg.gather [hbm4b:s9+s14], $0x80, v22, vm0, $0xb8;
	[tilespmem:$0x1CA80] =	vst v63  }
0xae: {  	v22 =	vld [tilespmem:$0x40];
	_ =	sdelay $0x4  }
0xaf: {  	v23 =	vshll.u32 v22, $0x3  }
0xb0: {  	v22 =	vand.u32 $0x7, v22;
	v23 =	vand.u32 $0xFFFFFFC0, v23  }
0xb1: {  	v22 =	vor.u32 v22, v23  }
0xb2: {  	v23 =	vperm.xlane v22, v2;
	_ =	sdelay $0x1  }
0xb3: {  	v22 =	vperm.xlane v22, v5;
	v23 =	vadd.s32 v3, v23;
	_ =	sdelay $0x1  }
0xb4: {  	v22 =	vadd.s32 v3, v22;
	_ =	sdelay $0x1  }
0xb5: {  	s21 =	simm.s32 $0xC080  }
0xb6: {  	[tilespmem:s21], [sflag:$0x1] =	stream.indirect_vreg.gather [hbm4b:s9+s14], $0x80, v23, vm0, $0xb8;
	[tilespmem:$0x1CA80] =	vst v63  }
0xb7: {  	s23 =	simm.s32 $0xC880  }
0xb8: {  	[tilespmem:s23], [sflag:$0x1] =	stream.indirect_vreg.gather [hbm4b:s9+s14], $0x80, v22, vm0, $0xb8;
	[tilespmem:$0x1CA80] =	vst v63  }
0xb9: {  	v22 =	vld [tilespmem:$0x50];
	_ =	sdelay $0x4  }
0xba: {  	v23 =	vshll.u32 v22, $0x3  }
0xbb: {  	v22 =	vand.u32 $0x7, v22;
	v23 =	vand.u32 $0xFFFFFFC0, v23  }
0xbc: {  	v22 =	vor.u32 v22, v23  }
0xbd: {  	v23 =	vperm.xlane v22, v2;
	_ =	sdelay $0x1  }
0xbe: {  	v22 =	vperm.xlane v22, v5;
	v23 =	vadd.s32 v3, v23;
	_ =	sdelay $0x1  }
0xbf: {  	v22 =	vadd.s32 v3, v22;
	_ =	sdelay $0x1  }
0xc0: {  	s18 =	simm.s32 $0xD080  }
0xc1: {  	[tilespmem:s18], [sflag:$0x1] =	stream.indirect_vreg.gather [hbm4b:s9+s14], $0x80, v23, vm0, $0xb8;
	[tilespmem:$0x1CA80] =	vst v63  }
0xc2: {  	s19 =	simm.s32 $0xD880  }
0xc3: {  	[tilespmem:s19], [sflag:$0x1] =	stream.indirect_vreg.gather [hbm4b:s9+s14], $0x80, v22, vm0, $0xb8;
	[tilespmem:$0x1CA80] =	vst v63  }
0xc4: {  	v22 =	vld [tilespmem:$0x60];
	_ =	sdelay $0x4  }
0xc5: {  	v23 =	vshll.u32 v22, $0x3  }
0xc6: {  	v22 =	vand.u32 $0x7, v22;
	v23 =	vand.u32 $0xFFFFFFC0, v23  }
0xc7: {  	v22 =	vor.u32 v22, v23  }
0xc8: {  	v23 =	vperm.xlane v22, v2;
	_ =	sdelay $0x1  }
0xc9: {  	v22 =	vperm.xlane v22, v5;
	v23 =	vadd.s32 v3, v23;
	_ =	sdelay $0x1  }
0xca: {  	v22 =	vadd.s32 v3, v22;
	_ =	sdelay $0x1  }
0xcb: {  	s21 =	simm.s32 $0xE080  }
0xcc: {  	[tilespmem:s21], [sflag:$0x1] =	stream.indirect_vreg.gather [hbm4b:s9+s14], $0x80, v23, vm0, $0xb8;
	[tilespmem:$0x1CA80] =	vst v63  }
0xcd: {  	s23 =	simm.s32 $0xE880  }
0xce: {  	[tilespmem:s23], [sflag:$0x1] =	stream.indirect_vreg.gather [hbm4b:s9+s14], $0x80, v22, vm0, $0xb8;
	[tilespmem:$0x1CA80] =	vst v63  }
0xcf: {  	v22 =	vld [tilespmem:$0x70];
	_ =	sdelay $0x4  }
0xd0: {  	v23 =	vshll.u32 v22, $0x3  }
0xd1: {  	v22 =	vand.u32 $0x7, v22;
	v23 =	vand.u32 $0xFFFFFFC0, v23  }
0xd2: {  	v22 =	vor.u32 v22, v23  }
0xd3: {  	v23 =	vperm.xlane v22, v2;
	_ =	sdelay $0x1  }
0xd4: {  	v22 =	vperm.xlane v22, v5;
	v23 =	vadd.s32 v3, v23;
	_ =	sdelay $0x1  }
0xd5: {  	v22 =	vadd.s32 v3, v22;
	_ =	sdelay $0x1  }
0xd6: {  	s18 =	simm.s32 $0xF080  }
0xd7: {  	[tilespmem:s18], [sflag:$0x1] =	stream.indirect_vreg.gather [hbm4b:s9+s14], $0x80, v23, vm0, $0xb8;
	[tilespmem:$0x1CA80] =	vst v63  }
0xd8: {  	s19 =	simm.s32 $0xF880  }
0xd9: {  	[tilespmem:s19], [sflag:$0x1] =	stream.indirect_vreg.gather [hbm4b:s9+s14], $0x80, v22, vm0, $0xb8;
	v22 =	vadd.s32 s14, v0;
	[tilespmem:$0x1CA80] =	vst v63  }
0xda: {  	s14 =	sand.u32 $0x70, s14;
	v23 =	vand.u32 $0xF, v22  }
0xdb: {  	_ =	swait.ge [sflag:s31], $0x2000;
	v24 =	vor.u32 s14, v23  }
0xdc: {  	v22 =	vshll.u32 v22, $0x7;
	[sflag:s31] =	ssyncset.done $0x0;
	v23 =	vshll.u32 v24, $0x8  }
0xdd: {  	s21 =	simm.s32 $0x1C680;
	v22 =	vand.u32 $0x380, v22;
	[sflag:s31] =	ssyncadd.s32 $0xFFFFE000;
	v23 =	vand.u32 $0x7800, v23  }
0xde: {  	[hbm4b:s3+s30] =	stream.indirect.scatter [tilespmem:s2], [sflag:$0x4], $0x80, s21, s30, $0xb8;
	v33 =	vor.u32 v22, v23;
	[tilespmem:$0x1CA80] =	vst v63  }
0xdf: {  	s15 =	simm.s32 $0x1;
	s23 =	simm.s32 $0x1C300;
	v23 =	vor.u32 v0, v33  }
0xe0: {  	[tilespmem:s16], [sflag:$0x3] =	stream.indirect.gather [hbm4b:s1+s30], $0x80, s23, s30, $0xb8;
	[tilespmem:$0x1CA80] =	vst v63  }
0xe1: {  	v25 =	vadd.s32 s15, v0;
	_ =	swait.ge [sflag:s7], $0x8000  }
0xe2: {  	s14 =	sand.u32 $0x70, s15;
	v22 =	vand.u32 $0xF, v25;
	[sflag:s7] =	ssyncset.done $0x0  }
0xe3: {  	v22 =	vor.u32 s14, v22;
	[sflag:s7] =	ssyncadd.s32 $0xFFFF8000  }
0xe4: {  	v27 =	vor.u32 v4, v24;
	v25 =	vshll.u32 v25, $0x7;
	v26 =	vshll.u32 v22, $0x8;
	v23 =	vld.idx.msk [tilespmem:v23+s13+$0x0], $0xffff  }
0xe5: {  	v25 =	vand.u32 $0x380, v25;
	v28 =	vor.u32 v7, v33;
	v26 =	vand.u32 $0x7800, v26  }
0xe6: {  	v26 =	vor.u32 v25, v26  }
0xe7: {  	v25 =	vor.u32 v0, v26;
	_ =	sdelay $0x1  }
0xe8: {  	s18 =	simm.s32 $0x2;
	[tilespmem:v27+s17+$0x0] =	vst.idx.msk $0xffff, v23  }
0xe9: {  	v29 =	vor.u32 v8, v24;
	v27 =	vadd.s32 s18, v0;
	v28 =	vld.idx.msk [tilespmem:v28+s13+$0x0], $0xffff  }
0xea: {  	s14 =	sand.u32 $0x70, s18;
	v30 =	vor.u32 v9, v33;
	v23 =	vand.u32 $0xF, v27  }
0xeb: {  	v31 =	vor.u32 v4, v22;
	v25 =	vld.idx.msk [tilespmem:v25+s13+$0x0], $0xffff;
	v23 =	vor.u32 s14, v23  }
0xec: {  	v27 =	vshll.u32 v27, $0x7;
	v32 =	vshll.u32 v23, $0x8  }
0xed: {  	v34 =	vor.u32 v7, v26;
	v27 =	vand.u32 $0x380, v27;
	v32 =	vand.u32 $0x7800, v32  }
0xee: {  	v27 =	vor.u32 v27, v32;
	[tilespmem:v29+s17+$0x0] =	vst.idx.msk $0xffff, v28  }
0xef: {  	v28 =	vor.u32 v0, v27;
	v29 =	vld.idx.msk [tilespmem:v30+s13+$0x0], $0xffff;
	v30 =	vor.u32 v10, v24  }
0xf0: {  	[tilespmem:v31+s17+$0x0] =	vst.idx.msk $0xffff, v25;
	v31 =	vor.u32 v11, v33  }
0xf1: {  	s19 =	simm.s32 $0x3  }
0xf2: {  	v59 =	vadd.s32 s19, v0;
	v35 =	vor.u32 v8, v22;
	v34 =	vld.idx.msk [tilespmem:v34+s13+$0x0], $0xffff  }
0xf3: {  	v38 =	vor.u32 v12, v24;
	v36 =	vor.u32 v9, v26;
	s14 =	sand.u32 $0x70, s19;
	v25 =	vand.u32 $0xF, v59  }
0xf4: {  	v37 =	vor.u32 v4, v23;
	v25 =	vor.u32 s14, v25;
	v28 =	vld.idx.msk [tilespmem:v28+s13+$0x0], $0xffff;
	[tilespmem:v30+s17+$0x0] =	vst.idx.msk $0xffff, v29  }
0xf5: {  	v32 =	vshll.u32 v59, $0x7;
	v29 =	vshll.u32 v25, $0x8;
	v30 =	vor.u32 v7, v27;
	v31 =	vld.idx.msk [tilespmem:v31+s13+$0x0], $0xffff  }
0xf6: {  	v60 =	vor.u32 v13, v33;
	v32 =	vand.u32 $0x380, v32;
	v29 =	vand.u32 $0x7800, v29  }
0xf7: {  	[tilespmem:v35+s17+$0x0] =	vst.idx.msk $0xffff, v34;
	v29 =	vor.u32 v32, v29  }
0xf8: {  	v63 =	vor.u32 v10, v22;
	v61 =	vld.idx.msk [tilespmem:v36+s13+$0x0], $0xffff;
	v62 =	vor.u32 v0, v29  }
0xf9: {  	v40 =	vor.u32 v14, v24;
	s21 =	simm.s32 $0x4;
	v44 =	vor.u32 v11, v26;
	[tilespmem:v37+s17+$0x0] =	vst.idx.msk $0xffff, v28  }
0xfa: {  	v39 =	vor.u32 v8, v23;
	v28 =	vadd.s32 s21, v0;
	v30 =	vld.idx.msk [tilespmem:v30+s13+$0x0], $0xffff;
	[tilespmem:v38+s17+$0x0] =	vst.idx.msk $0xffff, v31  }
0xfb: {  	s14 =	sand.u32 $0x70, s21;
	v45 =	vor.u32 v9, v27;
	v31 =	vshll.u32 v28, $0x7;
	v28 =	vand.u32 $0xF, v28;
	v34 =	vld.idx.msk [tilespmem:v60+s13+$0x0], $0xffff  }
0xfc: {  	v41 =	vor.u32 v15, v33;
	v43 =	vor.u32 v12, v22;
	v28 =	vor.u32 s14, v28  }
0xfd: {  	v46 =	vor.u32 v4, v25;
	[tilespmem:v63+s17+$0x0] =	vst.idx.msk $0xffff, v61;
	v35 =	vld.idx.msk [tilespmem:v62+s13+$0x0], $0xffff;
	v47 =	vshll.u32 v28, $0x8  }
0xfe: {  	v42 =	vor.u32 v7, v29;
	v37 =	vld.idx.msk [tilespmem:v44+s13+$0x0], $0xffff;
	v31 =	vand.u32 $0x380, v31;
	v36 =	vand.u32 $0x7800, v47  }
0xff: {  	[tilespmem:v39+s17+$0x0] =	vst.idx.msk $0xffff, v30;
	v30 =	vor.u32 v13, v26;
	v31 =	vor.u32 v31, v36  }
0x100: {  	v50 =	vor.u32 v10, v23;
	v48 =	vld.idx.msk [tilespmem:v45+s13+$0x0], $0xffff;
	v49 =	vor.u32 v0, v31;
	[tilespmem:v40+s17+$0x0] =	vst.idx.msk $0xffff, v34  }
0x101: {  	v52 =	vor.u32 v16, v24;
	s23 =	simm.s32 $0x5;
	v51 =	vor.u32 v11, v27;
	v40 =	vld.idx.msk [tilespmem:v41+s13+$0x0], $0xffff  }
0x102: {  	v55 =	vor.u32 v17, v33;
	v53 =	vadd.s32 s23, v0;
	v59 =	vor.u32 v15, v26;
	[tilespmem:v46+s17+$0x0] =	vst.idx.msk $0xffff, v35  }
0x103: {  	v57 =	vor.u32 v8, v25;
	v58 =	vor.u32 v9, v29;
	[tilespmem:v43+s17+$0x0] =	vst.idx.msk $0xffff, v37;
	v54 =	vld.idx.msk [tilespmem:v42+s13+$0x0], $0xffff  }
0x104: {  	s14 =	sand.u32 $0x70, s23;
	v47 =	vor.u32 v4, v28;
	v45 =	vor.u32 v14, v22;
	v44 =	vld.idx.msk [tilespmem:v30+s13+$0x0], $0xffff;
	v30 =	vand.u32 $0xF, v53  }
0x105: {  	v56 =	vshll.u32 v53, $0x7;
	v38 =	vld.idx.msk [tilespmem:v49+s13+$0x0], $0xffff;
	[tilespmem:v50+s17+$0x0] =	vst.idx.msk $0xffff, v48;
	v30 =	vor.u32 s14, v30;
	v48 =	vor.u32 v7, v31  }
0x106: {  	v60 =	vand.u32 $0x380, v56;
	v49 =	vor.u32 v12, v23;
	v34 =	vld.idx.msk [tilespmem:v51+s13+$0x0], $0xffff;
	v61 =	vshll.u32 v30, $0x8;
	[tilespmem:v52+s17+$0x0] =	vst.idx.msk $0xffff, v40  }
0x107: {  	v62 =	vor.u32 v13, v27;
	v51 =	vor.u32 v18, v24;
	v32 =	vand.u32 $0x7800, v61;
	v50 =	vld.idx.msk [tilespmem:v55+s13+$0x0], $0xffff  }
0x108: {  	v52 =	vor.u32 v19, v33;
	[tilespmem:v57+s17+$0x0] =	vst.idx.msk $0xffff, v54;
	v32 =	vor.u32 v60, v32  }
0x109: {  	v39 =	vor.u32 v14, v23;
	v40 =	vld.idx.msk [tilespmem:v58+s13+$0x0], $0xffff;
	[tilespmem:v45+s17+$0x0] =	vst.idx.msk $0xffff, v44;
	v46 =	vor.u32 v0, v32  }
0x10a: {  	v41 =	vor.u32 v11, v29;
	v42 =	vor.u32 v10, v25;
	s14 =	simm.s32 $0x6;
	v36 =	vld.idx.msk [tilespmem:v59+s13+$0x0], $0xffff;
	[tilespmem:v47+s17+$0x0] =	vst.idx.msk $0xffff, v38  }
0x10b: {  	v63 =	vadd.s32 s14, v0;
	v38 =	vor.u32 v16, v22;
	v43 =	vld.idx.msk [tilespmem:v48+s13+$0x0], $0xffff;
	[tilespmem:v49+s17+$0x0] =	vst.idx.msk $0xffff, v34  }
0x10c: {  	v33 =	vor.u32 v17, v26;
	v35 =	vand.u32 $0xF, v63;
	v37 =	vld.idx.msk [tilespmem:v62+s13+$0x0], $0xffff;
	[tilespmem:v51+s17+$0x0] =	vst.idx.msk $0xffff, v50  }
0x10d: {  	s15 =	simm.s32 $0x7;
	v44 =	vor.u32 v8, v28;
	v45 =	vor.u32 v9, v31;
	v47 =	vshll.u32 v63, $0x7;
	v34 =	vld.idx.msk [tilespmem:v52+s13+$0x0], $0xffff  }
.LBB2_6:
0x10e: {  	v48 =	vld.idx.msk [tilespmem:v46+s13+$0x0], $0xffff;
	v49 =	vor.u32 v15, v27;
	v50 =	vor.u32 v20, v24  }
0x10f: {  	p0 =	sne.s32 s15, $0x7F;
	s18 =	sand.u32 $0x70, s14;
	[tilespmem:v42+s17+$0x0] =	vst.idx.msk $0xffff, v40;
	v24 =	vmovc v22;
	v22 =	vmovc v23;
	v23 =	vmov v25;
	v25 =	vmov v28;
	v28 =	vmov v30;
	s14 =	smov.u32 s15  }
0x110: {  	v30 =	vor.u32 s18, v35;
	v35 =	vand.u32 $0x380, v47;
	v47 =	vor.u32 v4, v28;
	v51 =	vld.idx.msk [tilespmem:v41+s13+$0x0], $0xffff;
	[tilespmem:v38+s17+$0x0] =	vst.idx.msk $0xffff, v36  }
0x111: {  	v52 =	vor.u32 v7, v32;
	v55 =	vmovc v32;
	v53 =	vor.u32 v12, v23;
	v36 =	vshll.u32 v30, $0x8;
	v54 =	vld.idx.msk [tilespmem:v33+s13+$0x0], $0xffff  }
0x112: {  	v56 =	vor.u32 v13, v29;
	v57 =	vor.u32 v18, v24;
	v32 =	vand.u32 $0x7800, v36;
	[tilespmem:v44+s17+$0x0] =	vst.idx.msk $0xffff, v43  }
0x113: {  	v58 =	vor.u32 v19, v26;
	v32 =	vor.u32 v35, v32;
	v40 =	vld.idx.msk [tilespmem:v45+s13+$0x0], $0xffff;
	[tilespmem:v39+s17+$0x0] =	vst.idx.msk $0xffff, v37  }
.Ltmp2:
0x114: {  	v42 =	vor.u32 v10, v25;
	v46 =	vor.u32 v0, v32;
	v36 =	vld.idx.msk [tilespmem:v49+s13+$0x0], $0xffff;
	[tilespmem:v50+s17+$0x0] =	vst.idx.msk $0xffff, v34;
	(pc) =	sbr.rel @p0 .LBB2_6-.Ltmp2, $4  }
0x115: {  	v26 =	vmov v27;
	v41 =	vor.u32 v11, v31;
	v38 =	vor.u32 v16, v22;
	[tilespmem:v47+s17+$0x0] =	vst.idx.msk $0xffff, v48  }
0x116: {  	v27 =	vmov v29;
	v33 =	vor.u32 v17, v26;
	v34 =	vadd.s32 s15, v0;
	v43 =	vld.idx.msk [tilespmem:v52+s13+$0x0], $0xffff;
	[tilespmem:v53+s17+$0x0] =	vst.idx.msk $0xffff, v51  }
0x117: {  	v29 =	vmov v31;
	v44 =	vor.u32 v8, v28;
	v47 =	vshll.u32 v34, $0x7;
	v37 =	vld.idx.msk [tilespmem:v56+s13+$0x0], $0xffff;
	[tilespmem:v57+s17+$0x0] =	vst.idx.msk $0xffff, v54  }
0x118: {  	v31 =	vmovc v55;
	v45 =	vor.u32 v9, v55;
	v39 =	vor.u32 v14, v23;
	s15 =	sadd.s32 $0x1, s15;
	v35 =	vand.u32 $0xF, v34;
	v34 =	vld.idx.msk [tilespmem:v58+s13+$0x0], $0xffff  }
0x119: {  	s14 =	sand.u32 $0x70, s14  }
0x11a: {  	v35 =	vor.u32 s14, v35  }
0x11b: {  	v48 =	vshll.u32 v35, $0x8  }
0x11c: {  	v47 =	vand.u32 $0x380, v47;
	v48 =	vand.u32 $0x7800, v48  }
0x11d: {  	v47 =	vor.u32 v47, v48  }
0x11e: {  	v48 =	vor.u32 v0, v47;
	_ =	sdelay $0x3  }
0x11f: {  	v46 =	vld.idx.msk [tilespmem:v46+s13+$0x0], $0xffff;
	v49 =	vor.u32 v4, v30  }
0x120: {  	v50 =	vor.u32 v7, v32;
	v51 =	vor.u32 v4, v35;
	v48 =	vld.idx.msk [tilespmem:v48+s13+$0x0], $0xffff  }
0x121: {  	v52 =	vor.u32 v7, v47;
	_ =	sdelay $0x2  }
0x122: {  	[tilespmem:v49+s17+$0x0] =	vst.idx.msk $0xffff, v46  }
0x123: {  	v62 =	vor.u32 v8, v30;
	v46 =	vld.idx.msk [tilespmem:v50+s13+$0x0], $0xffff;
	[tilespmem:v51+s17+$0x0] =	vst.idx.msk $0xffff, v48  }
0x124: {  	v63 =	vor.u32 v9, v32;
	v57 =	vor.u32 v8, v35;
	v56 =	vld.idx.msk [tilespmem:v52+s13+$0x0], $0xffff  }
0x125: {  	v58 =	vor.u32 v9, v47  }
0x126: {  	[tilespmem:v44+s17+$0x0] =	vst.idx.msk $0xffff, v43  }
0x127: {  	v59 =	vor.u32 v10, v28;
	v43 =	vld.idx.msk [tilespmem:v45+s13+$0x0], $0xffff  }
0x128: {  	v60 =	vor.u32 v11, v31;
	[tilespmem:v62+s17+$0x0] =	vst.idx.msk $0xffff, v46  }
0x129: {  	v61 =	vor.u32 v10, v30;
	v46 =	vld.idx.msk [tilespmem:v63+s13+$0x0], $0xffff;
	[tilespmem:v57+s17+$0x0] =	vst.idx.msk $0xffff, v56  }
0x12a: {  	v62 =	vor.u32 v11, v32;
	v63 =	vor.u32 v10, v35;
	v50 =	vld.idx.msk [tilespmem:v58+s13+$0x0], $0xffff  }
0x12b: {  	[tilespmem:v42+s17+$0x0] =	vst.idx.msk $0xffff, v40;
	v56 =	vor.u32 v11, v47  }
0x12c: {  	v40 =	vld.idx.msk [tilespmem:v41+s13+$0x0], $0xffff;
	[tilespmem:v59+s17+$0x0] =	vst.idx.msk $0xffff, v43;
	v57 =	vor.u32 v12, v25  }
0x12d: {  	v59 =	vor.u32 v12, v28;
	v43 =	vld.idx.msk [tilespmem:v60+s13+$0x0], $0xffff;
	v58 =	vor.u32 v13, v29  }
0x12e: {  	v60 =	vor.u32 v13, v31;
	[tilespmem:v61+s17+$0x0] =	vst.idx.msk $0xffff, v46  }
0x12f: {  	v61 =	vor.u32 v12, v30;
	v46 =	vld.idx.msk [tilespmem:v62+s13+$0x0], $0xffff;
	[tilespmem:v63+s17+$0x0] =	vst.idx.msk $0xffff, v50  }
0x130: {  	v62 =	vor.u32 v13, v32;
	v63 =	vor.u32 v12, v35;
	v50 =	vld.idx.msk [tilespmem:v56+s13+$0x0], $0xffff  }
0x131: {  	[tilespmem:v57+s17+$0x0] =	vst.idx.msk $0xffff, v40;
	v56 =	vor.u32 v13, v47  }
0x132: {  	[tilespmem:v59+s17+$0x0] =	vst.idx.msk $0xffff, v43;
	v41 =	vld.idx.msk [tilespmem:v58+s13+$0x0], $0xffff;
	v58 =	vor.u32 v14, v25  }
0x133: {  	v59 =	vor.u32 v15, v29;
	v44 =	vld.idx.msk [tilespmem:v60+s13+$0x0], $0xffff;
	v60 =	vor.u32 v14, v28  }
0x134: {  	[tilespmem:v61+s17+$0x0] =	vst.idx.msk $0xffff, v46;
	v61 =	vor.u32 v15, v31  }
0x135: {  	v48 =	vld.idx.msk [tilespmem:v62+s13+$0x0], $0xffff;
	v62 =	vor.u32 v14, v30;
	v57 =	vor.u32 v15, v27;
	[tilespmem:v63+s17+$0x0] =	vst.idx.msk $0xffff, v50  }
0x136: {  	[tilespmem:v38+s17+$0x0] =	vst.idx.msk $0xffff, v36;
	v54 =	vor.u32 v14, v35;
	v63 =	vor.u32 v15, v32;
	v53 =	vld.idx.msk [tilespmem:v56+s13+$0x0], $0xffff  }
0x137: {  	v24 =	vor.u32 v20, v24;
	v55 =	vor.u32 v15, v47;
	[tilespmem:v58+s17+$0x0] =	vst.idx.msk $0xffff, v41  }
0x138: {  	[tilespmem:v60+s17+$0x0] =	vst.idx.msk $0xffff, v44;
	v58 =	vor.u32 v16, v25;
	v42 =	vld.idx.msk [tilespmem:v59+s13+$0x0], $0xffff  }
0x139: {  	[tilespmem:v39+s17+$0x0] =	vst.idx.msk $0xffff, v37;
	v60 =	vor.u32 v16, v28;
	v45 =	vld.idx.msk [tilespmem:v61+s13+$0x0], $0xffff;
	v59 =	vor.u32 v17, v29  }
0x13a: {  	v61 =	vor.u32 v17, v31;
	[tilespmem:v62+s17+$0x0] =	vst.idx.msk $0xffff, v48;
	v39 =	vld.idx.msk [tilespmem:v57+s13+$0x0], $0xffff;
	v56 =	vor.u32 v16, v23  }
0x13b: {  	v62 =	vor.u32 v16, v30;
	v57 =	vor.u32 v17, v27;
	v36 =	vld.idx.msk [tilespmem:v63+s13+$0x0], $0xffff;
	[tilespmem:v54+s17+$0x0] =	vst.idx.msk $0xffff, v53  }
0x13c: {  	[tilespmem:v24+s17+$0x0] =	vst.idx.msk $0xffff, v34;
	v24 =	vor.u32 v17, v32;
	v49 =	vor.u32 v16, v35;
	v63 =	vld.idx.msk [tilespmem:v55+s13+$0x0], $0xffff  }
0x13d: {  	v33 =	vld.idx.msk [tilespmem:v33+s13+$0x0], $0xffff;
	v51 =	vor.u32 v17, v47;
	v50 =	vor.u32 v18, v22;
	[tilespmem:v58+s17+$0x0] =	vst.idx.msk $0xffff, v42  }
0x13e: {  	v26 =	vor.u32 v19, v26;
	[tilespmem:v60+s17+$0x0] =	vst.idx.msk $0xffff, v45;
	v43 =	vld.idx.msk [tilespmem:v59+s13+$0x0], $0xffff;
	v53 =	vor.u32 v18, v25  }
0x13f: {  	v29 =	vor.u32 v19, v29;
	v38 =	vld.idx.msk [tilespmem:v61+s13+$0x0], $0xffff;
	[tilespmem:v56+s17+$0x0] =	vst.idx.msk $0xffff, v39;
	v54 =	vor.u32 v18, v28  }
0x140: {  	v52 =	vor.u32 v18, v23;
	v31 =	vor.u32 v19, v31;
	v41 =	vld.idx.msk [tilespmem:v57+s13+$0x0], $0xffff;
	[tilespmem:v62+s17+$0x0] =	vst.idx.msk $0xffff, v36  }
0x141: {  	v27 =	vor.u32 v19, v27;
	v55 =	vor.u32 v18, v30;
	v24 =	vld.idx.msk [tilespmem:v24+s13+$0x0], $0xffff;
	[tilespmem:v49+s17+$0x0] =	vst.idx.msk $0xffff, v63  }
0x142: {  	[tilespmem:v50+s17+$0x0] =	vst.idx.msk $0xffff, v33;
	v58 =	vor.u32 v18, v35;
	v56 =	vor.u32 v19, v32;
	v57 =	vld.idx.msk [tilespmem:v51+s13+$0x0], $0xffff  }
0x143: {  	v22 =	vor.u32 v20, v22;
	v26 =	vld.idx.msk [tilespmem:v26+s13+$0x0], $0xffff;
	v59 =	vor.u32 v19, v47;
	[tilespmem:v53+s17+$0x0] =	vst.idx.msk $0xffff, v43  }
0x144: {  	v25 =	vor.u32 v20, v25;
	[tilespmem:v54+s17+$0x0] =	vst.idx.msk $0xffff, v38;
	v29 =	vld.idx.msk [tilespmem:v29+s13+$0x0], $0xffff  }
0x145: {  	v28 =	vor.u32 v20, v28;
	[tilespmem:v52+s17+$0x0] =	vst.idx.msk $0xffff, v41;
	v31 =	vld.idx.msk [tilespmem:v31+s13+$0x0], $0xffff  }
0x146: {  	v23 =	vor.u32 v20, v23;
	v27 =	vld.idx.msk [tilespmem:v27+s13+$0x0], $0xffff;
	[tilespmem:v55+s17+$0x0] =	vst.idx.msk $0xffff, v24  }
0x147: {  	v30 =	vor.u32 v20, v30;
	v24 =	vld.idx.msk [tilespmem:v56+s13+$0x0], $0xffff;
	[tilespmem:v58+s17+$0x0] =	vst.idx.msk $0xffff, v57  }
0x148: {  	[tilespmem:v22+s17+$0x0] =	vst.idx.msk $0xffff, v26;
	v26 =	vor.u32 v20, v35;
	v22 =	vld.idx.msk [tilespmem:v59+s13+$0x0], $0xffff  }
0x149: {  	[tilespmem:v25+s17+$0x0] =	vst.idx.msk $0xffff, v29  }
0x14a: {  	[tilespmem:v28+s17+$0x0] =	vst.idx.msk $0xffff, v31  }
0x14b: {  	s19 =	simm.s32 $0x0;
	[tilespmem:v23+s17+$0x0] =	vst.idx.msk $0xffff, v27  }
0x14c: {  	v23 =	vadd.s32 s19, v0;
	[tilespmem:v30+s17+$0x0] =	vst.idx.msk $0xffff, v24  }
0x14d: {  	s15 =	simm.s32 $0x1C080;
	s14 =	sand.u32 $0x70, s19;
	[tilespmem:v26+s17+$0x0] =	vst.idx.msk $0xffff, v22;
	v22 =	vand.u32 $0xF, v23  }
0x14e: {  	[hbm4b:s3+s13] =	stream.indirect.scatter [tilespmem:s17], [sflag:$0x2], $0x80, s15, s13, $0xb8;
	v22 =	vor.u32 s14, v22;
	[tilespmem:$0x1CA80] =	vst v63  }
0x14f: {  	v23 =	vshll.u32 v23, $0x7;
	_ =	swait.ge [sflag:s31], $0x2000;
	v24 =	vshll.u32 v22, $0x8  }
0x150: {  	v23 =	vand.u32 $0x380, v23;
	[sflag:s31] =	ssyncset.done $0x0;
	v24 =	vand.u32 $0x7800, v24  }
0x151: {  	s21 =	simm.s32 $0x1C700;
	[sflag:s31] =	ssyncadd.s32 $0xFFFFE000;
	v23 =	vor.u32 v24, v23  }
0x152: {  	[hbm4b:s3+s30] =	stream.indirect.scatter [tilespmem:s16], [sflag:$0x4], $0x80, s21, s30, $0xb8;
	v24 =	vor.u32 v21, v23;
	[tilespmem:$0x1CA80] =	vst v63  }
0x153: {  	_ =	swait.ge [sflag:s20], $0x2000  }
0x154: {  	[sflag:s20] =	ssyncset.done $0x0  }
0x155: {  	s23 =	simm.s32 $0x1;
	s18 =	simm.s32 $0x1C380;
	[sflag:s20] =	ssyncadd.s32 $0xFFFFE000  }
0x156: {  	v25 =	vadd.s32 s23, v0;
	[tilespmem:s2], [sflag:$0x3] =	stream.indirect.gather [hbm4b:s1+s30], $0x80, s18, s30, $0xb8;
	[tilespmem:$0x1CA80] =	vst v63  }
0x157: {  	v26 =	vand.u32 $0xF, v25;
	s14 =	sand.u32 $0x70, s23;
	v27 =	vor.u32 v4, v22;
	v32 =	vor.u32 $0x400, v23;
	v24 =	vld.idx.msk [tilespmem:v24+s13+$0x0], $0xffff  }
0x158: {  	v23 =	vor.u32 s14, v26;
	v26 =	vor.u32 v7, v32  }
0x159: {  	v25 =	vshll.u32 v25, $0x7;
	v28 =	vshll.u32 v23, $0x8  }
0x15a: {  	v25 =	vand.u32 $0x380, v25;
	v28 =	vand.u32 $0x7800, v28  }
0x15b: {  	v25 =	vor.u32 v28, v25  }
0x15c: {  	v28 =	vor.u32 v21, v25;
	[tilespmem:v27+s22+$0x0] =	vst.idx.msk $0xffff, v24  }
0x15d: {  	v27 =	vor.u32 v8, v22;
	v26 =	vld.idx.msk [tilespmem:v26+s13+$0x0], $0xffff  }
0x15e: {  	s19 =	simm.s32 $0x2;
	v29 =	vor.u32 v9, v32  }
0x15f: {  	v30 =	vadd.s32 s19, v0  }
0x160: {  	s14 =	sand.u32 $0x70, s19;
	v24 =	vand.u32 $0xF, v30  }
0x161: {  	v31 =	vor.u32 v4, v23;
	v25 =	vor.u32 $0x400, v25;
	v28 =	vld.idx.msk [tilespmem:v28+s13+$0x0], $0xffff;
	v24 =	vor.u32 s14, v24  }
0x162: {  	v60 =	vor.u32 v7, v25;
	v30 =	vshll.u32 v30, $0x7;
	[tilespmem:v27+s22+$0x0] =	vst.idx.msk $0xffff, v26;
	v26 =	vshll.u32 v24, $0x8  }
0x163: {  	v27 =	vand.u32 $0x380, v30;
	v30 =	vor.u32 v10, v22;
	v29 =	vld.idx.msk [tilespmem:v29+s13+$0x0], $0xffff;
	v26 =	vand.u32 $0x7800, v26  }
0x164: {  	v26 =	vor.u32 v26, v27;
	v27 =	vor.u32 v11, v32  }
0x165: {  	v61 =	vor.u32 v21, v26  }
0x166: {  	[tilespmem:v31+s22+$0x0] =	vst.idx.msk $0xffff, v28  }
0x167: {  	v62 =	vor.u32 v8, v23;
	v31 =	vld.idx.msk [tilespmem:v60+s13+$0x0], $0xffff  }
0x168: {  	s21 =	simm.s32 $0x3;
	v40 =	vor.u32 v9, v25;
	[tilespmem:v30+s22+$0x0] =	vst.idx.msk $0xffff, v29  }
0x169: {  	v63 =	vadd.s32 s21, v0;
	v42 =	vor.u32 v13, v32;
	v30 =	vor.u32 v12, v22;
	v27 =	vld.idx.msk [tilespmem:v27+s13+$0x0], $0xffff  }
0x16a: {  	s14 =	sand.u32 $0x70, s21;
	v41 =	vor.u32 v4, v24;
	v28 =	vor.u32 $0x400, v26;
	v29 =	vand.u32 $0xF, v63;
	v34 =	vld.idx.msk [tilespmem:v61+s13+$0x0], $0xffff  }
0x16b: {  	v26 =	vor.u32 s14, v29;
	v29 =	vor.u32 v7, v28  }
0x16c: {  	v35 =	vshll.u32 v63, $0x7;
	[tilespmem:v62+s22+$0x0] =	vst.idx.msk $0xffff, v31;
	v31 =	vshll.u32 v26, $0x8  }
0x16d: {  	v45 =	vor.u32 v10, v23;
	v43 =	vand.u32 $0x380, v35;
	v44 =	vld.idx.msk [tilespmem:v40+s13+$0x0], $0xffff;
	v31 =	vand.u32 $0x7800, v31  }
0x16e: {  	v46 =	vor.u32 v11, v25;
	v31 =	vor.u32 v31, v43;
	[tilespmem:v30+s22+$0x0] =	vst.idx.msk $0xffff, v27  }
0x16f: {  	v47 =	vor.u32 v14, v22;
	v27 =	vor.u32 v21, v31;
	[tilespmem:v41+s22+$0x0] =	vst.idx.msk $0xffff, v34;
	v30 =	vld.idx.msk [tilespmem:v42+s13+$0x0], $0xffff  }
0x170: {  	s23 =	simm.s32 $0x4;
	v49 =	vor.u32 v15, v32;
	v48 =	vor.u32 v8, v24;
	v37 =	vld.idx.msk [tilespmem:v29+s13+$0x0], $0xffff  }
0x171: {  	v50 =	vadd.s32 s23, v0;
	v51 =	vor.u32 v9, v28  }
0x172: {  	v59 =	vor.u32 v16, v22;
	v52 =	vand.u32 $0xF, v50;
	[tilespmem:v45+s22+$0x0] =	vst.idx.msk $0xffff, v44  }
0x173: {  	v53 =	vor.u32 v12, v23;
	v54 =	vor.u32 v13, v25;
	v60 =	vor.u32 v10, v24;
	s14 =	sand.u32 $0x70, s23;
	v33 =	vld.idx.msk [tilespmem:v46+s13+$0x0], $0xffff  }
0x174: {  	v29 =	vor.u32 $0x400, v31;
	v31 =	vor.u32 v4, v26;
	v55 =	vld.idx.msk [tilespmem:v27+s13+$0x0], $0xffff;
	v27 =	vor.u32 s14, v52;
	[tilespmem:v47+s22+$0x0] =	vst.idx.msk $0xffff, v30  }
0x175: {  	v56 =	vor.u32 v7, v29;
	v30 =	vshll.u32 v50, $0x7;
	v58 =	vshll.u32 v27, $0x8;
	[tilespmem:v48+s22+$0x0] =	vst.idx.msk $0xffff, v37;
	v57 =	vld.idx.msk [tilespmem:v49+s13+$0x0], $0xffff  }
0x176: {  	v61 =	vor.u32 v17, v32;
	v30 =	vand.u32 $0x380, v30;
	v37 =	vand.u32 $0x7800, v58;
	v41 =	vld.idx.msk [tilespmem:v51+s13+$0x0], $0xffff  }
0x177: {  	v62 =	vor.u32 v11, v28;
	v39 =	vor.u32 v37, v30  }
0x178: {  	[tilespmem:v53+s22+$0x0] =	vst.idx.msk $0xffff, v33;
	v63 =	vor.u32 v21, v39  }
0x179: {  	v34 =	vor.u32 v14, v23;
	v33 =	vld.idx.msk [tilespmem:v54+s13+$0x0], $0xffff;
	[tilespmem:v31+s22+$0x0] =	vst.idx.msk $0xffff, v55  }
0x17a: {  	v35 =	vor.u32 v15, v25;
	v40 =	vor.u32 v8, v26;
	v38 =	vld.idx.msk [tilespmem:v56+s13+$0x0], $0xffff;
	[tilespmem:v59+s22+$0x0] =	vst.idx.msk $0xffff, v57  }
0x17b: {  	s14 =	simm.s32 $0x5;
	[tilespmem:v60+s22+$0x0] =	vst.idx.msk $0xffff, v41;
	v30 =	vld.idx.msk [tilespmem:v61+s13+$0x0], $0xffff;
	v41 =	vor.u32 v9, v29  }
0x17c: {  	v43 =	vadd.s32 s14, v0;
	v31 =	vor.u32 v18, v22;
	v36 =	vld.idx.msk [tilespmem:v62+s13+$0x0], $0xffff  }
0x17d: {  	s15 =	simm.s32 $0x6;
	v32 =	vor.u32 v19, v32;
	v44 =	vand.u32 $0xF, v43;
	v37 =	vor.u32 v12, v24;
	v42 =	vld.idx.msk [tilespmem:v63+s13+$0x0], $0xffff  }
.LBB2_8:
0x17e: {  	p0 =	sne.s32 s15, $0x7F;
	s18 =	sand.u32 $0x70, s14;
	v45 =	vor.u32 $0x400, v39;
	v46 =	vor.u32 v4, v27;
	v47 =	vor.u32 v13, v28;
	[tilespmem:v34+s22+$0x0] =	vst.idx.msk $0xffff, v33;
	s14 =	smov.u32 s15  }
0x17f: {  	v33 =	vshll.u32 v43, $0x7;
	v48 =	vor.u32 s18, v44;
	v34 =	vor.u32 v7, v45;
	[tilespmem:v40+s22+$0x0] =	vst.idx.msk $0xffff, v38;
	v43 =	vld.idx.msk [tilespmem:v35+s13+$0x0], $0xffff  }
0x180: {  	v49 =	vmovc v25;
	v25 =	vmovc v28;
	v33 =	vand.u32 $0x380, v33;
	v35 =	vshll.u32 v48, $0x8;
	v44 =	vld.idx.msk [tilespmem:v41+s13+$0x0], $0xffff;
	v41 =	vor.u32 v16, v23  }
0x181: {  	v50 =	vor.u32 v10, v26;
	v51 =	vor.u32 v17, v49;
	v28 =	vand.u32 $0x7800, v35;
	[tilespmem:v31+s22+$0x0] =	vst.idx.msk $0xffff, v30  }
0x182: {  	v31 =	vor.u32 v11, v29;
	v39 =	vor.u32 v28, v33;
	[tilespmem:v37+s22+$0x0] =	vst.idx.msk $0xffff, v36;
	v52 =	vld.idx.msk [tilespmem:v32+s13+$0x0], $0xffff  }
0x183: {  	v32 =	vor.u32 v21, v39;
	[tilespmem:v46+s22+$0x0] =	vst.idx.msk $0xffff, v42;
	v33 =	vld.idx.msk [tilespmem:v47+s13+$0x0], $0xffff;
	v46 =	vor.u32 v20, v22  }
.Ltmp3:
0x184: {  	v22 =	vmovc v23;
	v23 =	vmovc v24;
	v38 =	vld.idx.msk [tilespmem:v34+s13+$0x0], $0xffff;
	v34 =	vor.u32 v14, v24;
	v28 =	vmov v29;
	v29 =	vmov v45;
	(pc) =	sbr.rel @p0 .LBB2_8-.Ltmp3, $4  }
0x185: {  	v40 =	vor.u32 v8, v27;
	v35 =	vor.u32 v15, v25;
	v24 =	vmov v26;
	[tilespmem:v41+s22+$0x0] =	vst.idx.msk $0xffff, v43  }
0x186: {  	v26 =	vmov v27;
	v43 =	vadd.s32 s15, v0;
	v41 =	vor.u32 v9, v29;
	[tilespmem:v50+s22+$0x0] =	vst.idx.msk $0xffff, v44;
	v30 =	vld.idx.msk [tilespmem:v51+s13+$0x0], $0xffff  }
0x187: {  	v27 =	vmov v48;
	v44 =	vand.u32 $0xF, v43;
	v36 =	vld.idx.msk [tilespmem:v31+s13+$0x0], $0xffff;
	v31 =	vor.u32 v18, v22  }
0x188: {  	s15 =	sadd.s32 $0x1, s15;
	v37 =	vor.u32 v12, v24;
	v42 =	vld.idx.msk [tilespmem:v32+s13+$0x0], $0xffff;
	v32 =	vor.u32 v19, v49;
	[tilespmem:v46+s22+$0x0] =	vst.idx.msk $0xffff, v52  }
0x189: {  	s14 =	sand.u32 $0x70, s14  }
0x18a: {  	v44 =	vor.u32 s14, v44  }
0x18b: {  	v43 =	vshll.u32 v43, $0x7;
	v45 =	vshll.u32 v44, $0x8  }
0x18c: {  	v43 =	vand.u32 $0x380, v43;
	v45 =	vand.u32 $0x7800, v45  }
0x18d: {  	v43 =	vor.u32 v45, v43  }
0x18e: {  	v45 =	vor.u32 v21, v43;
	_ =	sdelay $0x2  }
0x18f: {  	v39 =	vor.u32 $0x400, v39;
	v46 =	vor.u32 v4, v27  }
0x190: {  	v47 =	vor.u32 v7, v39  }
0x191: {  	v48 =	vor.u32 v4, v44;
	v43 =	vor.u32 $0x400, v43;
	v45 =	vld.idx.msk [tilespmem:v45+s13+$0x0], $0xffff  }
0x192: {  	v49 =	vor.u32 v7, v43;
	_ =	sdelay $0x1  }
0x193: {  	[tilespmem:v46+s22+$0x0] =	vst.idx.msk $0xffff, v42  }
0x194: {  	v58 =	vor.u32 v8, v27;
	v42 =	vld.idx.msk [tilespmem:v47+s13+$0x0], $0xffff  }
0x195: {  	v59 =	vor.u32 v9, v39;
	[tilespmem:v48+s22+$0x0] =	vst.idx.msk $0xffff, v45  }
0x196: {  	[tilespmem:v40+s22+$0x0] =	vst.idx.msk $0xffff, v38;
	v61 =	vor.u32 v8, v44;
	v60 =	vld.idx.msk [tilespmem:v49+s13+$0x0], $0xffff  }
0x197: {  	v63 =	vor.u32 v10, v26;
	v38 =	vld.idx.msk [tilespmem:v41+s13+$0x0], $0xffff;
	v62 =	vor.u32 v9, v43  }
0x198: {  	v52 =	vor.u32 v11, v29  }
0x199: {  	[tilespmem:v58+s22+$0x0] =	vst.idx.msk $0xffff, v42  }
0x19a: {  	v53 =	vor.u32 v10, v27;
	v42 =	vld.idx.msk [tilespmem:v59+s13+$0x0], $0xffff  }
0x19b: {  	v54 =	vor.u32 v11, v39;
	[tilespmem:v61+s22+$0x0] =	vst.idx.msk $0xffff, v60  }
0x19c: {  	v55 =	vor.u32 v10, v44;
	[tilespmem:v63+s22+$0x0] =	vst.idx.msk $0xffff, v38;
	v47 =	vld.idx.msk [tilespmem:v62+s13+$0x0], $0xffff  }
0x19d: {  	v56 =	vor.u32 v11, v43;
	v40 =	vld.idx.msk [tilespmem:v52+s13+$0x0], $0xffff;
	v58 =	vor.u32 v12, v26  }
0x19e: {  	v59 =	vor.u32 v13, v29  }
0x19f: {  	v57 =	vor.u32 v13, v28;
	[tilespmem:v53+s22+$0x0] =	vst.idx.msk $0xffff, v42  }
0x1a0: {  	v45 =	vld.idx.msk [tilespmem:v54+s13+$0x0], $0xffff;
	v60 =	vor.u32 v12, v27  }
0x1a1: {  	v61 =	vor.u32 v13, v39;
	[tilespmem:v55+s22+$0x0] =	vst.idx.msk $0xffff, v47  }
0x1a2: {  	[tilespmem:v58+s22+$0x0] =	vst.idx.msk $0xffff, v40;
	v62 =	vor.u32 v12, v44;
	v48 =	vld.idx.msk [tilespmem:v56+s13+$0x0], $0xffff  }
0x1a3: {  	[tilespmem:v37+s22+$0x0] =	vst.idx.msk $0xffff, v36;
	v50 =	vor.u32 v13, v43;
	v40 =	vld.idx.msk [tilespmem:v59+s13+$0x0], $0xffff;
	v53 =	vor.u32 v14, v26  }
0x1a4: {  	v36 =	vld.idx.msk [tilespmem:v57+s13+$0x0], $0xffff;
	v63 =	vor.u32 v14, v24;
	v54 =	vor.u32 v15, v29  }
0x1a5: {  	v52 =	vor.u32 v15, v28;
	[tilespmem:v60+s22+$0x0] =	vst.idx.msk $0xffff, v45  }
0x1a6: {  	[tilespmem:v34+s22+$0x0] =	vst.idx.msk $0xffff, v33;
	v45 =	vld.idx.msk [tilespmem:v61+s13+$0x0], $0xffff;
	v55 =	vor.u32 v14, v27  }
0x1a7: {  	v34 =	vld.idx.msk [tilespmem:v35+s13+$0x0], $0xffff;
	v56 =	vor.u32 v15, v39;
	[tilespmem:v62+s22+$0x0] =	vst.idx.msk $0xffff, v48  }
0x1a8: {  	v57 =	vor.u32 v14, v44;
	[tilespmem:v53+s22+$0x0] =	vst.idx.msk $0xffff, v40;
	v48 =	vld.idx.msk [tilespmem:v50+s13+$0x0], $0xffff  }
0x1a9: {  	[tilespmem:v63+s22+$0x0] =	vst.idx.msk $0xffff, v36;
	v63 =	vor.u32 v16, v26;
	v58 =	vor.u32 v15, v43;
	v41 =	vld.idx.msk [tilespmem:v54+s13+$0x0], $0xffff  }
0x1aa: {  	v37 =	vld.idx.msk [tilespmem:v52+s13+$0x0], $0xffff;
	v52 =	vor.u32 v17, v29;
	v59 =	vor.u32 v16, v23  }
0x1ab: {  	v60 =	vor.u32 v17, v25;
	v61 =	vor.u32 v16, v24;
	[tilespmem:v55+s22+$0x0] =	vst.idx.msk $0xffff, v45  }
0x1ac: {  	v53 =	vor.u32 v16, v27;
	v62 =	vor.u32 v17, v28;
	v46 =	vld.idx.msk [tilespmem:v56+s13+$0x0], $0xffff  }
0x1ad: {  	v54 =	vor.u32 v17, v39;
	[tilespmem:v57+s22+$0x0] =	vst.idx.msk $0xffff, v48  }
0x1ae: {  	[tilespmem:v63+s22+$0x0] =	vst.idx.msk $0xffff, v41;
	v55 =	vor.u32 v16, v44;
	v33 =	vld.idx.msk [tilespmem:v58+s13+$0x0], $0xffff  }
0x1af: {  	[tilespmem:v59+s22+$0x0] =	vst.idx.msk $0xffff, v34;
	v59 =	vld.idx.msk [tilespmem:v52+s13+$0x0], $0xffff;
	v56 =	vor.u32 v17, v43  }
0x1b0: {  	v35 =	vld.idx.msk [tilespmem:v60+s13+$0x0], $0xffff;
	v60 =	vor.u32 v18, v26;
	[tilespmem:v61+s22+$0x0] =	vst.idx.msk $0xffff, v37  }
0x1b1: {  	v29 =	vor.u32 v19, v29;
	v37 =	vld.idx.msk [tilespmem:v62+s13+$0x0], $0xffff;
	[tilespmem:v53+s22+$0x0] =	vst.idx.msk $0xffff, v46;
	v57 =	vor.u32 v18, v23  }
0x1b2: {  	[tilespmem:v31+s22+$0x0] =	vst.idx.msk $0xffff, v30;
	v25 =	vor.u32 v19, v25;
	v62 =	vor.u32 v18, v27;
	v61 =	vld.idx.msk [tilespmem:v54+s13+$0x0], $0xffff  }
0x1b3: {  	v30 =	vor.u32 v19, v39;
	v58 =	vor.u32 v18, v24;
	[tilespmem:v55+s22+$0x0] =	vst.idx.msk $0xffff, v33  }
0x1b4: {  	v63 =	vor.u32 v18, v44;
	v28 =	vor.u32 v19, v28;
	v31 =	vld.idx.msk [tilespmem:v56+s13+$0x0], $0xffff  }
0x1b5: {  	v22 =	vor.u32 v20, v22;
	v32 =	vld.idx.msk [tilespmem:v32+s13+$0x0], $0xffff;
	v39 =	vor.u32 v19, v43;
	[tilespmem:v60+s22+$0x0] =	vst.idx.msk $0xffff, v59  }
0x1b6: {  	v26 =	vor.u32 v20, v26;
	v29 =	vld.idx.msk [tilespmem:v29+s13+$0x0], $0xffff;
	[tilespmem:v57+s22+$0x0] =	vst.idx.msk $0xffff, v35  }
0x1b7: {  	v23 =	vor.u32 v20, v23;
	[tilespmem:v62+s22+$0x0] =	vst.idx.msk $0xffff, v61;
	v25 =	vld.idx.msk [tilespmem:v25+s13+$0x0], $0xffff  }
0x1b8: {  	v27 =	vor.u32 v20, v27;
	[tilespmem:v58+s22+$0x0] =	vst.idx.msk $0xffff, v37;
	v30 =	vld.idx.msk [tilespmem:v30+s13+$0x0], $0xffff  }
0x1b9: {  	v24 =	vor.u32 v20, v24;
	v28 =	vld.idx.msk [tilespmem:v28+s13+$0x0], $0xffff;
	[tilespmem:v63+s22+$0x0] =	vst.idx.msk $0xffff, v31  }
0x1ba: {  	[tilespmem:v22+s22+$0x0] =	vst.idx.msk $0xffff, v32;
	v31 =	vor.u32 v20, v44;
	v22 =	vld.idx.msk [tilespmem:v39+s13+$0x0], $0xffff  }
0x1bb: {  	[tilespmem:v26+s22+$0x0] =	vst.idx.msk $0xffff, v29  }
0x1bc: {  	[tilespmem:v23+s22+$0x0] =	vst.idx.msk $0xffff, v25  }
0x1bd: {  	[tilespmem:v27+s22+$0x0] =	vst.idx.msk $0xffff, v30  }
0x1be: {  	[tilespmem:v24+s22+$0x0] =	vst.idx.msk $0xffff, v28  }
0x1bf: {  	s15 =	simm.s32 $0x1C100;
	[tilespmem:v31+s22+$0x0] =	vst.idx.msk $0xffff, v22  }
0x1c0: {  	[hbm4b:s3+s13] =	stream.indirect.scatter [tilespmem:s22], [sflag:$0x2], $0x80, s15, s13, $0xb8;
	[tilespmem:$0x1CA80] =	vst v63  }
0x1c1: {  	_ =	swait.ge [sflag:s31], $0x2000  }
0x1c2: {  	[sflag:s31] =	ssyncset.done $0x0  }
0x1c3: {  	s18 =	simm.s32 $0x1C780;
	[sflag:s31] =	ssyncadd.s32 $0xFFFFE000  }
0x1c4: {  	[hbm4b:s3+s30] =	stream.indirect.scatter [tilespmem:s2], [sflag:$0x4], $0x80, s18, s30, $0xb8;
	[tilespmem:$0x1CA80] =	vst v63  }
0x1c5: {  	_ =	swait.ge [sflag:s20], $0x2000  }
0x1c6: {  	[sflag:s20] =	ssyncset.done $0x0  }
0x1c7: {  	s19 =	simm.s32 $0x1C400;
	[sflag:s20] =	ssyncadd.s32 $0xFFFFE000  }
0x1c8: {  	[tilespmem:s16], [sflag:$0x3] =	stream.indirect.gather [hbm4b:s1+s30], $0x80, s19, s30, $0xb8;
	[tilespmem:$0x1CA80] =	vst v63  }
0x1c9: {  	_ =	swait.ge [sflag:s31], $0x2000  }
0x1ca: {  	[sflag:s31] =	ssyncset.done $0x0  }
0x1cb: {  	s21 =	simm.s32 $0x0;
	s15 =	simm.s32 $0x1C800;
	[sflag:s31] =	ssyncadd.s32 $0xFFFFE000  }
0x1cc: {  	v22 =	vadd.s32 s21, v0;
	[hbm4b:s3+s30] =	stream.indirect.scatter [tilespmem:s16], [sflag:$0x4], $0x80, s15, s30, $0xb8;
	[tilespmem:$0x1CA80] =	vst v63  }
0x1cd: {  	s14 =	sand.u32 $0x70, s21;
	v23 =	vand.u32 $0xF, v22;
	_ =	swait.ge [sflag:s20], $0x2000  }
0x1ce: {  	v24 =	vor.u32 s14, v23;
	[sflag:s20] =	ssyncset.done $0x0  }
0x1cf: {  	s23 =	simm.s32 $0x1C480;
	v22 =	vshll.u32 v22, $0x7;
	v23 =	vshll.u32 v24, $0x8;
	[sflag:s20] =	ssyncadd.s32 $0xFFFFE000  }
0x1d0: {  	v22 =	vand.u32 $0x380, v22;
	v23 =	vand.u32 $0x7800, v23;
	[tilespmem:s2], [sflag:$0x3] =	stream.indirect.gather [hbm4b:s1+s30], $0x80, s23, s30, $0xb8;
	[tilespmem:$0x1CA80] =	vst v63  }
0x1d1: {  	v33 =	vor.u32 v22, v23;
	_ =	swait.ge [sflag:s7], $0x8000  }
0x1d2: {  	v23 =	vor.u32 v0, v33;
	s15 =	simm.s32 $0x1;
	[sflag:s7] =	ssyncset.done $0x0  }
0x1d3: {  	v25 =	vadd.s32 s15, v0;
	[sflag:s7] =	ssyncadd.s32 $0xFFFF8000  }
0x1d4: {  	s14 =	sand.u32 $0x70, s15;
	v22 =	vand.u32 $0xF, v25;
	_ =	swait.ge [sflag:s29], $0x4000  }
0x1d5: {  	v22 =	vor.u32 s14, v22;
	[sflag:s29] =	ssyncset.done $0x0  }
0x1d6: {  	v25 =	vshll.u32 v25, $0x7;
	v26 =	vshll.u32 v22, $0x8;
	[sflag:s29] =	ssyncadd.s32 $0xFFFFC000  }
0x1d7: {  	v27 =	vor.u32 v4, v24;
	v25 =	vand.u32 $0x380, v25;
	v26 =	vand.u32 $0x7800, v26;
	v23 =	vld.idx.msk [tilespmem:v23+s0+$0x0], $0xffff  }
0x1d8: {  	v28 =	vor.u32 v7, v33;
	v26 =	vor.u32 v25, v26  }
0x1d9: {  	v25 =	vor.u32 v0, v26;
	_ =	sdelay $0x2  }
0x1da: {  	s18 =	simm.s32 $0x2;
	[tilespmem:v27+s17+$0x0] =	vst.idx.msk $0xffff, v23  }
0x1db: {  	v29 =	vor.u32 v8, v24;
	v27 =	vadd.s32 s18, v0;
	v28 =	vld.idx.msk [tilespmem:v28+s0+$0x0], $0xffff  }
0x1dc: {  	v30 =	vor.u32 v9, v33;
	s14 =	sand.u32 $0x70, s18;
	v31 =	vor.u32 v4, v22;
	v25 =	vld.idx.msk [tilespmem:v25+s0+$0x0], $0xffff;
	v23 =	vand.u32 $0xF, v27  }
0x1dd: {  	v44 =	vor.u32 v7, v26;
	v23 =	vor.u32 s14, v23  }
0x1de: {  	v27 =	vshll.u32 v27, $0x7;
	v43 =	vshll.u32 v23, $0x8  }
0x1df: {  	v27 =	vand.u32 $0x380, v27;
	v32 =	vand.u32 $0x7800, v43  }
0x1e0: {  	v27 =	vor.u32 v27, v32;
	[tilespmem:v29+s17+$0x0] =	vst.idx.msk $0xffff, v28  }
0x1e1: {  	[tilespmem:v31+s17+$0x0] =	vst.idx.msk $0xffff, v25;
	v28 =	vor.u32 v0, v27;
	v29 =	vld.idx.msk [tilespmem:v30+s0+$0x0], $0xffff;
	v30 =	vor.u32 v10, v24  }
0x1e2: {  	v46 =	vor.u32 v8, v22;
	v31 =	vor.u32 v11, v33;
	v34 =	vld.idx.msk [tilespmem:v44+s0+$0x0], $0xffff  }
0x1e3: {  	s19 =	simm.s32 $0x3;
	v47 =	vor.u32 v9, v26  }
0x1e4: {  	v45 =	vadd.s32 s19, v0  }
0x1e5: {  	v49 =	vor.u32 v12, v24;
	v50 =	vor.u32 v13, v33;
	v25 =	vand.u32 $0xF, v45;
	s14 =	sand.u32 $0x70, s19  }
0x1e6: {  	v25 =	vor.u32 s14, v25;
	v48 =	vor.u32 v4, v23;
	v28 =	vld.idx.msk [tilespmem:v28+s0+$0x0], $0xffff;
	[tilespmem:v30+s17+$0x0] =	vst.idx.msk $0xffff, v29  }
0x1e7: {  	v32 =	vshll.u32 v45, $0x7;
	[tilespmem:v46+s17+$0x0] =	vst.idx.msk $0xffff, v34;
	v29 =	vshll.u32 v25, $0x8;
	v30 =	vor.u32 v7, v27;
	v31 =	vld.idx.msk [tilespmem:v31+s0+$0x0], $0xffff  }
0x1e8: {  	v53 =	vor.u32 v10, v22;
	v32 =	vand.u32 $0x380, v32;
	v51 =	vld.idx.msk [tilespmem:v47+s0+$0x0], $0xffff;
	v29 =	vand.u32 $0x7800, v29  }
0x1e9: {  	v54 =	vor.u32 v11, v26;
	v29 =	vor.u32 v32, v29  }
0x1ea: {  	v52 =	vor.u32 v0, v29  }
0x1eb: {  	s21 =	simm.s32 $0x4;
	v57 =	vor.u32 v14, v24;
	[tilespmem:v48+s17+$0x0] =	vst.idx.msk $0xffff, v28  }
0x1ec: {  	v55 =	vor.u32 v8, v23;
	v28 =	vadd.s32 s21, v0;
	v30 =	vld.idx.msk [tilespmem:v30+s0+$0x0], $0xffff;
	[tilespmem:v49+s17+$0x0] =	vst.idx.msk $0xffff, v31  }
0x1ed: {  	s14 =	sand.u32 $0x70, s21;
	v56 =	vor.u32 v9, v27;
	[tilespmem:v53+s17+$0x0] =	vst.idx.msk $0xffff, v51;
	v31 =	vshll.u32 v28, $0x7;
	v28 =	vand.u32 $0xF, v28;
	v34 =	vld.idx.msk [tilespmem:v50+s0+$0x0], $0xffff  }
0x1ee: {  	v58 =	vor.u32 v15, v33;
	v62 =	vor.u32 v12, v22;
	v37 =	vld.idx.msk [tilespmem:v54+s0+$0x0], $0xffff;
	v28 =	vor.u32 s14, v28  }
0x1ef: {  	v59 =	vor.u32 v4, v25;
	v45 =	vor.u32 v14, v22;
	v35 =	vld.idx.msk [tilespmem:v52+s0+$0x0], $0xffff;
	v60 =	vshll.u32 v28, $0x8  }
0x1f0: {  	v61 =	vor.u32 v7, v29;
	v31 =	vand.u32 $0x380, v31;
	v36 =	vand.u32 $0x7800, v60  }
0x1f1: {  	[tilespmem:v55+s17+$0x0] =	vst.idx.msk $0xffff, v30;
	v30 =	vor.u32 v13, v26;
	v31 =	vor.u32 v31, v36  }
0x1f2: {  	v49 =	vor.u32 v10, v23;
	v63 =	vld.idx.msk [tilespmem:v56+s0+$0x0], $0xffff;
	v48 =	vor.u32 v0, v31;
	[tilespmem:v57+s17+$0x0] =	vst.idx.msk $0xffff, v34  }
0x1f3: {  	v51 =	vor.u32 v16, v24;
	v50 =	vor.u32 v11, v27;
	[tilespmem:v62+s17+$0x0] =	vst.idx.msk $0xffff, v37;
	v40 =	vld.idx.msk [tilespmem:v58+s0+$0x0], $0xffff  }
0x1f4: {  	s23 =	simm.s32 $0x5;
	v53 =	vor.u32 v17, v33;
	v62 =	vor.u32 v13, v27;
	[tilespmem:v59+s17+$0x0] =	vst.idx.msk $0xffff, v35  }
0x1f5: {  	v52 =	vadd.s32 s23, v0;
	v60 =	vor.u32 v12, v23;
	v55 =	vor.u32 v8, v25;
	v41 =	vld.idx.msk [tilespmem:v61+s0+$0x0], $0xffff  }
0x1f6: {  	s14 =	sand.u32 $0x70, s23;
	v57 =	vor.u32 v4, v28;
	v35 =	vor.u32 v9, v29;
	v44 =	vld.idx.msk [tilespmem:v30+s0+$0x0], $0xffff;
	v30 =	vand.u32 $0xF, v52  }
0x1f7: {  	v38 =	vld.idx.msk [tilespmem:v48+s0+$0x0], $0xffff;
	[tilespmem:v49+s17+$0x0] =	vst.idx.msk $0xffff, v63;
	v63 =	vor.u32 v15, v26;
	v30 =	vor.u32 s14, v30  }
0x1f8: {  	v54 =	vshll.u32 v52, $0x7;
	v59 =	vor.u32 v7, v31;
	v34 =	vld.idx.msk [tilespmem:v50+s0+$0x0], $0xffff;
	v58 =	vshll.u32 v30, $0x8;
	[tilespmem:v51+s17+$0x0] =	vst.idx.msk $0xffff, v40  }
0x1f9: {  	v56 =	vand.u32 $0x380, v54;
	v32 =	vand.u32 $0x7800, v58;
	v51 =	vor.u32 v18, v24;
	v61 =	vld.idx.msk [tilespmem:v53+s0+$0x0], $0xffff  }
0x1fa: {  	v52 =	vor.u32 v19, v33;
	[tilespmem:v55+s17+$0x0] =	vst.idx.msk $0xffff, v41;
	v32 =	vor.u32 v56, v32  }
0x1fb: {  	v39 =	vor.u32 v14, v23;
	v40 =	vld.idx.msk [tilespmem:v35+s0+$0x0], $0xffff;
	[tilespmem:v45+s17+$0x0] =	vst.idx.msk $0xffff, v44;
	v46 =	vor.u32 v0, v32  }
0x1fc: {  	v42 =	vor.u32 v10, v25;
	v33 =	vor.u32 v17, v26;
	v36 =	vld.idx.msk [tilespmem:v63+s0+$0x0], $0xffff;
	[tilespmem:v57+s17+$0x0] =	vst.idx.msk $0xffff, v38  }
0x1fd: {  	s14 =	simm.s32 $0x6;
	v41 =	vor.u32 v11, v29;
	v38 =	vor.u32 v16, v22;
	v43 =	vld.idx.msk [tilespmem:v59+s0+$0x0], $0xffff;
	[tilespmem:v60+s17+$0x0] =	vst.idx.msk $0xffff, v34  }
0x1fe: {  	v44 =	vor.u32 v8, v28;
	v63 =	vadd.s32 s14, v0;
	v37 =	vld.idx.msk [tilespmem:v62+s0+$0x0], $0xffff;
	[tilespmem:v51+s17+$0x0] =	vst.idx.msk $0xffff, v61  }
0x1ff: {  	s15 =	simm.s32 $0x7;
	v45 =	vor.u32 v9, v31;
	v47 =	vshll.u32 v63, $0x7;
	v35 =	vand.u32 $0xF, v63;
	v34 =	vld.idx.msk [tilespmem:v52+s0+$0x0], $0xffff  }
.LBB2_10:
0x200: {  	v48 =	vld.idx.msk [tilespmem:v46+s0+$0x0], $0xffff;
	v49 =	vor.u32 v15, v27;
	v50 =	vor.u32 v20, v24  }
0x201: {  	p0 =	sne.s32 s15, $0x7F;
	s18 =	sand.u32 $0x70, s14;
	[tilespmem:v42+s17+$0x0] =	vst.idx.msk $0xffff, v40;
	v24 =	vmovc v22;
	v22 =	vmovc v23;
	v23 =	vmov v25;
	v25 =	vmov v28;
	v28 =	vmov v30;
	s14 =	smov.u32 s15  }
0x202: {  	v30 =	vor.u32 s18, v35;
	v35 =	vand.u32 $0x380, v47;
	v47 =	vor.u32 v4, v28;
	v51 =	vld.idx.msk [tilespmem:v41+s0+$0x0], $0xffff;
	[tilespmem:v38+s17+$0x0] =	vst.idx.msk $0xffff, v36  }
0x203: {  	v52 =	vor.u32 v7, v32;
	v55 =	vmovc v32;
	v53 =	vor.u32 v12, v23;
	v36 =	vshll.u32 v30, $0x8;
	v54 =	vld.idx.msk [tilespmem:v33+s0+$0x0], $0xffff  }
0x204: {  	v56 =	vor.u32 v13, v29;
	v57 =	vor.u32 v18, v24;
	v32 =	vand.u32 $0x7800, v36;
	[tilespmem:v44+s17+$0x0] =	vst.idx.msk $0xffff, v43  }
0x205: {  	v58 =	vor.u32 v19, v26;
	v32 =	vor.u32 v35, v32;
	v40 =	vld.idx.msk [tilespmem:v45+s0+$0x0], $0xffff;
	[tilespmem:v39+s17+$0x0] =	vst.idx.msk $0xffff, v37  }
.Ltmp4:
0x206: {  	v42 =	vor.u32 v10, v25;
	v46 =	vor.u32 v0, v32;
	v36 =	vld.idx.msk [tilespmem:v49+s0+$0x0], $0xffff;
	[tilespmem:v50+s17+$0x0] =	vst.idx.msk $0xffff, v34;
	(pc) =	sbr.rel @p0 .LBB2_10-.Ltmp4, $4  }
0x207: {  	v26 =	vmov v27;
	v41 =	vor.u32 v11, v31;
	v38 =	vor.u32 v16, v22;
	[tilespmem:v47+s17+$0x0] =	vst.idx.msk $0xffff, v48  }
0x208: {  	v27 =	vmov v29;
	v33 =	vor.u32 v17, v26;
	v34 =	vadd.s32 s15, v0;
	v43 =	vld.idx.msk [tilespmem:v52+s0+$0x0], $0xffff;
	[tilespmem:v53+s17+$0x0] =	vst.idx.msk $0xffff, v51  }
0x209: {  	v29 =	vmov v31;
	v44 =	vor.u32 v8, v28;
	v47 =	vshll.u32 v34, $0x7;
	v37 =	vld.idx.msk [tilespmem:v56+s0+$0x0], $0xffff;
	[tilespmem:v57+s17+$0x0] =	vst.idx.msk $0xffff, v54  }
0x20a: {  	v31 =	vmovc v55;
	v45 =	vor.u32 v9, v55;
	v39 =	vor.u32 v14, v23;
	s15 =	sadd.s32 $0x1, s15;
	v35 =	vand.u32 $0xF, v34;
	v34 =	vld.idx.msk [tilespmem:v58+s0+$0x0], $0xffff  }
0x20b: {  	s14 =	sand.u32 $0x70, s14  }
0x20c: {  	v35 =	vor.u32 s14, v35  }
0x20d: {  	v48 =	vshll.u32 v35, $0x8  }
0x20e: {  	v47 =	vand.u32 $0x380, v47;
	v48 =	vand.u32 $0x7800, v48  }
0x20f: {  	v47 =	vor.u32 v47, v48  }
0x210: {  	v48 =	vor.u32 v0, v47;
	_ =	sdelay $0x3  }
0x211: {  	v46 =	vld.idx.msk [tilespmem:v46+s0+$0x0], $0xffff;
	v49 =	vor.u32 v4, v30  }
0x212: {  	v50 =	vor.u32 v7, v32;
	v51 =	vor.u32 v4, v35;
	v48 =	vld.idx.msk [tilespmem:v48+s0+$0x0], $0xffff  }
0x213: {  	v52 =	vor.u32 v7, v47;
	_ =	sdelay $0x2  }
0x214: {  	[tilespmem:v49+s17+$0x0] =	vst.idx.msk $0xffff, v46  }
0x215: {  	v62 =	vor.u32 v8, v30;
	v46 =	vld.idx.msk [tilespmem:v50+s0+$0x0], $0xffff;
	[tilespmem:v51+s17+$0x0] =	vst.idx.msk $0xffff, v48  }
0x216: {  	v63 =	vor.u32 v9, v32;
	v57 =	vor.u32 v8, v35;
	v56 =	vld.idx.msk [tilespmem:v52+s0+$0x0], $0xffff  }
0x217: {  	v58 =	vor.u32 v9, v47  }
0x218: {  	[tilespmem:v44+s17+$0x0] =	vst.idx.msk $0xffff, v43  }
0x219: {  	v59 =	vor.u32 v10, v28;
	v43 =	vld.idx.msk [tilespmem:v45+s0+$0x0], $0xffff  }
0x21a: {  	v60 =	vor.u32 v11, v31;
	[tilespmem:v62+s17+$0x0] =	vst.idx.msk $0xffff, v46  }
0x21b: {  	v61 =	vor.u32 v10, v30;
	v46 =	vld.idx.msk [tilespmem:v63+s0+$0x0], $0xffff;
	[tilespmem:v57+s17+$0x0] =	vst.idx.msk $0xffff, v56  }
0x21c: {  	v62 =	vor.u32 v11, v32;
	v63 =	vor.u32 v10, v35;
	v50 =	vld.idx.msk [tilespmem:v58+s0+$0x0], $0xffff  }
0x21d: {  	[tilespmem:v42+s17+$0x0] =	vst.idx.msk $0xffff, v40;
	v56 =	vor.u32 v11, v47  }
0x21e: {  	v40 =	vld.idx.msk [tilespmem:v41+s0+$0x0], $0xffff;
	[tilespmem:v59+s17+$0x0] =	vst.idx.msk $0xffff, v43;
	v57 =	vor.u32 v12, v25  }
0x21f: {  	v59 =	vor.u32 v12, v28;
	v43 =	vld.idx.msk [tilespmem:v60+s0+$0x0], $0xffff;
	v58 =	vor.u32 v13, v29  }
0x220: {  	v60 =	vor.u32 v13, v31;
	[tilespmem:v61+s17+$0x0] =	vst.idx.msk $0xffff, v46  }
0x221: {  	v61 =	vor.u32 v12, v30;
	v46 =	vld.idx.msk [tilespmem:v62+s0+$0x0], $0xffff;
	[tilespmem:v63+s17+$0x0] =	vst.idx.msk $0xffff, v50  }
0x222: {  	v62 =	vor.u32 v13, v32;
	v63 =	vor.u32 v12, v35;
	v50 =	vld.idx.msk [tilespmem:v56+s0+$0x0], $0xffff  }
0x223: {  	[tilespmem:v57+s17+$0x0] =	vst.idx.msk $0xffff, v40;
	v56 =	vor.u32 v13, v47  }
0x224: {  	[tilespmem:v59+s17+$0x0] =	vst.idx.msk $0xffff, v43;
	v41 =	vld.idx.msk [tilespmem:v58+s0+$0x0], $0xffff;
	v58 =	vor.u32 v14, v25  }
0x225: {  	v59 =	vor.u32 v15, v29;
	v44 =	vld.idx.msk [tilespmem:v60+s0+$0x0], $0xffff;
	v60 =	vor.u32 v14, v28  }
0x226: {  	[tilespmem:v61+s17+$0x0] =	vst.idx.msk $0xffff, v46;
	v61 =	vor.u32 v15, v31  }
0x227: {  	v48 =	vld.idx.msk [tilespmem:v62+s0+$0x0], $0xffff;
	v62 =	vor.u32 v14, v30;
	v57 =	vor.u32 v15, v27;
	[tilespmem:v63+s17+$0x0] =	vst.idx.msk $0xffff, v50  }
0x228: {  	[tilespmem:v38+s17+$0x0] =	vst.idx.msk $0xffff, v36;
	v54 =	vor.u32 v14, v35;
	v63 =	vor.u32 v15, v32;
	v53 =	vld.idx.msk [tilespmem:v56+s0+$0x0], $0xffff  }
0x229: {  	v24 =	vor.u32 v20, v24;
	v55 =	vor.u32 v15, v47;
	[tilespmem:v58+s17+$0x0] =	vst.idx.msk $0xffff, v41  }
0x22a: {  	[tilespmem:v60+s17+$0x0] =	vst.idx.msk $0xffff, v44;
	v58 =	vor.u32 v16, v25;
	v42 =	vld.idx.msk [tilespmem:v59+s0+$0x0], $0xffff  }
0x22b: {  	[tilespmem:v39+s17+$0x0] =	vst.idx.msk $0xffff, v37;
	v60 =	vor.u32 v16, v28;
	v45 =	vld.idx.msk [tilespmem:v61+s0+$0x0], $0xffff;
	v59 =	vor.u32 v17, v29  }
0x22c: {  	v61 =	vor.u32 v17, v31;
	[tilespmem:v62+s17+$0x0] =	vst.idx.msk $0xffff, v48;
	v39 =	vld.idx.msk [tilespmem:v57+s0+$0x0], $0xffff;
	v56 =	vor.u32 v16, v23  }
0x22d: {  	v62 =	vor.u32 v16, v30;
	v57 =	vor.u32 v17, v27;
	v36 =	vld.idx.msk [tilespmem:v63+s0+$0x0], $0xffff;
	[tilespmem:v54+s17+$0x0] =	vst.idx.msk $0xffff, v53  }
0x22e: {  	[tilespmem:v24+s17+$0x0] =	vst.idx.msk $0xffff, v34;
	v24 =	vor.u32 v17, v32;
	v49 =	vor.u32 v16, v35;
	v63 =	vld.idx.msk [tilespmem:v55+s0+$0x0], $0xffff  }
0x22f: {  	v33 =	vld.idx.msk [tilespmem:v33+s0+$0x0], $0xffff;
	v51 =	vor.u32 v17, v47;
	v50 =	vor.u32 v18, v22;
	[tilespmem:v58+s17+$0x0] =	vst.idx.msk $0xffff, v42  }
0x230: {  	v26 =	vor.u32 v19, v26;
	[tilespmem:v60+s17+$0x0] =	vst.idx.msk $0xffff, v45;
	v43 =	vld.idx.msk [tilespmem:v59+s0+$0x0], $0xffff;
	v53 =	vor.u32 v18, v25  }
0x231: {  	v29 =	vor.u32 v19, v29;
	v38 =	vld.idx.msk [tilespmem:v61+s0+$0x0], $0xffff;
	[tilespmem:v56+s17+$0x0] =	vst.idx.msk $0xffff, v39;
	v54 =	vor.u32 v18, v28  }
0x232: {  	v52 =	vor.u32 v18, v23;
	v31 =	vor.u32 v19, v31;
	v41 =	vld.idx.msk [tilespmem:v57+s0+$0x0], $0xffff;
	[tilespmem:v62+s17+$0x0] =	vst.idx.msk $0xffff, v36  }
0x233: {  	v27 =	vor.u32 v19, v27;
	v55 =	vor.u32 v18, v30;
	v24 =	vld.idx.msk [tilespmem:v24+s0+$0x0], $0xffff;
	[tilespmem:v49+s17+$0x0] =	vst.idx.msk $0xffff, v63  }
0x234: {  	[tilespmem:v50+s17+$0x0] =	vst.idx.msk $0xffff, v33;
	v58 =	vor.u32 v18, v35;
	v56 =	vor.u32 v19, v32;
	v57 =	vld.idx.msk [tilespmem:v51+s0+$0x0], $0xffff  }
0x235: {  	v22 =	vor.u32 v20, v22;
	v26 =	vld.idx.msk [tilespmem:v26+s0+$0x0], $0xffff;
	v59 =	vor.u32 v19, v47;
	[tilespmem:v53+s17+$0x0] =	vst.idx.msk $0xffff, v43  }
0x236: {  	v25 =	vor.u32 v20, v25;
	[tilespmem:v54+s17+$0x0] =	vst.idx.msk $0xffff, v38;
	v29 =	vld.idx.msk [tilespmem:v29+s0+$0x0], $0xffff  }
0x237: {  	v28 =	vor.u32 v20, v28;
	[tilespmem:v52+s17+$0x0] =	vst.idx.msk $0xffff, v41;
	v31 =	vld.idx.msk [tilespmem:v31+s0+$0x0], $0xffff  }
0x238: {  	v23 =	vor.u32 v20, v23;
	v27 =	vld.idx.msk [tilespmem:v27+s0+$0x0], $0xffff;
	[tilespmem:v55+s17+$0x0] =	vst.idx.msk $0xffff, v24  }
0x239: {  	v30 =	vor.u32 v20, v30;
	v24 =	vld.idx.msk [tilespmem:v56+s0+$0x0], $0xffff;
	[tilespmem:v58+s17+$0x0] =	vst.idx.msk $0xffff, v57  }
0x23a: {  	[tilespmem:v22+s17+$0x0] =	vst.idx.msk $0xffff, v26;
	v26 =	vor.u32 v20, v35;
	v22 =	vld.idx.msk [tilespmem:v59+s0+$0x0], $0xffff  }
0x23b: {  	[tilespmem:v25+s17+$0x0] =	vst.idx.msk $0xffff, v29  }
0x23c: {  	[tilespmem:v28+s17+$0x0] =	vst.idx.msk $0xffff, v31  }
0x23d: {  	[tilespmem:v23+s17+$0x0] =	vst.idx.msk $0xffff, v27  }
0x23e: {  	[tilespmem:v30+s17+$0x0] =	vst.idx.msk $0xffff, v24  }
0x23f: {  	s15 =	simm.s32 $0x1C180;
	[tilespmem:v26+s17+$0x0] =	vst.idx.msk $0xffff, v22  }
0x240: {  	[hbm4b:s3+s13] =	stream.indirect.scatter [tilespmem:s17], [sflag:$0x2], $0x80, s15, s13, $0xb8;
	[tilespmem:$0x1CA80] =	vst v63  }
0x241: {  	_ =	swait.ge [sflag:s31], $0x2000  }
0x242: {  	[sflag:s31] =	ssyncset.done $0x0  }
0x243: {  	s18 =	simm.s32 $0x1C880;
	[sflag:s31] =	ssyncadd.s32 $0xFFFFE000  }
0x244: {  	[hbm4b:s3+s30] =	stream.indirect.scatter [tilespmem:s2], [sflag:$0x4], $0x80, s18, s30, $0xb8;
	[tilespmem:$0x1CA80] =	vst v63  }
0x245: {  	_ =	swait.ge [sflag:s20], $0x2000  }
0x246: {  	[sflag:s20] =	ssyncset.done $0x0  }
0x247: {  	s19 =	simm.s32 $0x1C500;
	s21 =	simm.s32 $0x0;
	[sflag:s20] =	ssyncadd.s32 $0xFFFFE000  }
0x248: {  	[tilespmem:s16], [sflag:$0x3] =	stream.indirect.gather [hbm4b:s1+s30], $0x80, s19, s30, $0xb8;
	[tilespmem:$0x1CA80] =	vst v63  }
0x249: {  	v23 =	vadd.s32 s21, v0;
	_ =	swait.ge [sflag:s31], $0x2000  }
0x24a: {  	s14 =	sand.u32 $0x70, s21;
	v22 =	vand.u32 $0xF, v23;
	[sflag:s31] =	ssyncset.done $0x0  }
0x24b: {  	s23 =	simm.s32 $0x1C900;
	v22 =	vor.u32 s14, v22;
	[sflag:s31] =	ssyncadd.s32 $0xFFFFE000  }
0x24c: {  	v23 =	vshll.u32 v23, $0x7;
	v24 =	vshll.u32 v22, $0x8;
	[hbm4b:s3+s30] =	stream.indirect.scatter [tilespmem:s16], [sflag:$0x4], $0x80, s23, s30, $0xb8;
	[tilespmem:$0x1CA80] =	vst v63  }
0x24d: {  	v23 =	vand.u32 $0x380, v23;
	v24 =	vand.u32 $0x7800, v24;
	_ =	swait.ge [sflag:s20], $0x2000  }
0x24e: {  	v23 =	vor.u32 v24, v23;
	[sflag:s20] =	ssyncset.done $0x0  }
0x24f: {  	s15 =	simm.s32 $0x1C580;
	v24 =	vor.u32 v21, v23;
	[sflag:s20] =	ssyncadd.s32 $0xFFFFE000  }
0x250: {  	[tilespmem:s2], [sflag:$0x3] =	stream.indirect.gather [hbm4b:s1+s30], $0x80, s15, s30, $0xb8;
	[tilespmem:$0x1CA80] =	vst v63  }
0x251: {  	_ =	swait.ge [sflag:s29], $0x4000  }
0x252: {  	s18 =	simm.s32 $0x1;
	[sflag:s29] =	ssyncset.done $0x0  }
0x253: {  	v25 =	vadd.s32 s18, v0;
	[sflag:s29] =	ssyncadd.s32 $0xFFFFC000  }
0x254: {  	v27 =	vor.u32 v4, v22;
	v32 =	vor.u32 $0x400, v23;
	s14 =	sand.u32 $0x70, s18;
	v26 =	vand.u32 $0xF, v25;
	v24 =	vld.idx.msk [tilespmem:v24+s0+$0x0], $0xffff  }
0x255: {  	v23 =	vor.u32 s14, v26;
	v26 =	vor.u32 v7, v32  }
0x256: {  	v25 =	vshll.u32 v25, $0x7;
	v28 =	vshll.u32 v23, $0x8  }
0x257: {  	v25 =	vand.u32 $0x380, v25;
	v28 =	vand.u32 $0x7800, v28  }
0x258: {  	v25 =	vor.u32 v28, v25  }
0x259: {  	v28 =	vor.u32 v21, v25;
	[tilespmem:v27+s22+$0x0] =	vst.idx.msk $0xffff, v24  }
0x25a: {  	v27 =	vor.u32 v8, v22;
	v26 =	vld.idx.msk [tilespmem:v26+s0+$0x0], $0xffff  }
0x25b: {  	v29 =	vor.u32 v9, v32;
	s19 =	simm.s32 $0x2  }
0x25c: {  	v30 =	vadd.s32 s19, v0  }
0x25d: {  	s14 =	sand.u32 $0x70, s19;
	v24 =	vand.u32 $0xF, v30  }
0x25e: {  	v31 =	vor.u32 v4, v23;
	v25 =	vor.u32 $0x400, v25;
	v28 =	vld.idx.msk [tilespmem:v28+s0+$0x0], $0xffff;
	v24 =	vor.u32 s14, v24  }
0x25f: {  	v60 =	vor.u32 v7, v25;
	v30 =	vshll.u32 v30, $0x7;
	[tilespmem:v27+s22+$0x0] =	vst.idx.msk $0xffff, v26;
	v26 =	vshll.u32 v24, $0x8  }
0x260: {  	v27 =	vand.u32 $0x380, v30;
	v30 =	vor.u32 v10, v22;
	v29 =	vld.idx.msk [tilespmem:v29+s0+$0x0], $0xffff;
	v26 =	vand.u32 $0x7800, v26  }
0x261: {  	v26 =	vor.u32 v26, v27;
	v27 =	vor.u32 v11, v32  }
0x262: {  	v61 =	vor.u32 v21, v26  }
0x263: {  	[tilespmem:v31+s22+$0x0] =	vst.idx.msk $0xffff, v28  }
0x264: {  	v62 =	vor.u32 v8, v23;
	v31 =	vld.idx.msk [tilespmem:v60+s0+$0x0], $0xffff  }
0x265: {  	s21 =	simm.s32 $0x3;
	v40 =	vor.u32 v9, v25;
	[tilespmem:v30+s22+$0x0] =	vst.idx.msk $0xffff, v29  }
0x266: {  	v63 =	vadd.s32 s21, v0;
	v42 =	vor.u32 v13, v32;
	v30 =	vor.u32 v12, v22;
	v27 =	vld.idx.msk [tilespmem:v27+s0+$0x0], $0xffff  }
0x267: {  	s14 =	sand.u32 $0x70, s21;
	v41 =	vor.u32 v4, v24;
	v28 =	vor.u32 $0x400, v26;
	v29 =	vand.u32 $0xF, v63;
	v34 =	vld.idx.msk [tilespmem:v61+s0+$0x0], $0xffff  }
0x268: {  	v26 =	vor.u32 s14, v29;
	v29 =	vor.u32 v7, v28  }
0x269: {  	v35 =	vshll.u32 v63, $0x7;
	[tilespmem:v62+s22+$0x0] =	vst.idx.msk $0xffff, v31;
	v31 =	vshll.u32 v26, $0x8  }
0x26a: {  	v43 =	vand.u32 $0x380, v35;
	v45 =	vor.u32 v10, v23;
	v44 =	vld.idx.msk [tilespmem:v40+s0+$0x0], $0xffff;
	v31 =	vand.u32 $0x7800, v31  }
0x26b: {  	v46 =	vor.u32 v11, v25;
	v31 =	vor.u32 v31, v43;
	[tilespmem:v30+s22+$0x0] =	vst.idx.msk $0xffff, v27  }
0x26c: {  	v47 =	vor.u32 v14, v22;
	v27 =	vor.u32 v21, v31;
	[tilespmem:v41+s22+$0x0] =	vst.idx.msk $0xffff, v34;
	v30 =	vld.idx.msk [tilespmem:v42+s0+$0x0], $0xffff  }
0x26d: {  	v49 =	vor.u32 v15, v32;
	v48 =	vor.u32 v8, v24;
	v37 =	vld.idx.msk [tilespmem:v29+s0+$0x0], $0xffff  }
0x26e: {  	s23 =	simm.s32 $0x4;
	v51 =	vor.u32 v9, v28  }
0x26f: {  	v59 =	vor.u32 v16, v22;
	v53 =	vor.u32 v12, v23;
	v50 =	vadd.s32 s23, v0;
	[tilespmem:v45+s22+$0x0] =	vst.idx.msk $0xffff, v44  }
0x270: {  	v54 =	vor.u32 v13, v25;
	v52 =	vand.u32 $0xF, v50;
	v60 =	vor.u32 v10, v24;
	v33 =	vld.idx.msk [tilespmem:v46+s0+$0x0], $0xffff;
	s14 =	sand.u32 $0x70, s23  }
0x271: {  	v29 =	vor.u32 $0x400, v31;
	v31 =	vor.u32 v4, v26;
	v55 =	vld.idx.msk [tilespmem:v27+s0+$0x0], $0xffff;
	v27 =	vor.u32 s14, v52;
	[tilespmem:v47+s22+$0x0] =	vst.idx.msk $0xffff, v30  }
0x272: {  	v56 =	vor.u32 v7, v29;
	v30 =	vshll.u32 v50, $0x7;
	v58 =	vshll.u32 v27, $0x8;
	[tilespmem:v48+s22+$0x0] =	vst.idx.msk $0xffff, v37;
	v57 =	vld.idx.msk [tilespmem:v49+s0+$0x0], $0xffff  }
0x273: {  	v61 =	vor.u32 v17, v32;
	v30 =	vand.u32 $0x380, v30;
	v37 =	vand.u32 $0x7800, v58;
	v41 =	vld.idx.msk [tilespmem:v51+s0+$0x0], $0xffff  }
0x274: {  	v62 =	vor.u32 v11, v28;
	v39 =	vor.u32 v37, v30  }
0x275: {  	[tilespmem:v53+s22+$0x0] =	vst.idx.msk $0xffff, v33;
	v63 =	vor.u32 v21, v39  }
0x276: {  	v33 =	vld.idx.msk [tilespmem:v54+s0+$0x0], $0xffff;
	v34 =	vor.u32 v14, v23;
	[tilespmem:v31+s22+$0x0] =	vst.idx.msk $0xffff, v55  }
0x277: {  	v35 =	vor.u32 v15, v25;
	v40 =	vor.u32 v8, v26;
	v38 =	vld.idx.msk [tilespmem:v56+s0+$0x0], $0xffff;
	[tilespmem:v59+s22+$0x0] =	vst.idx.msk $0xffff, v57  }
0x278: {  	s14 =	simm.s32 $0x5;
	[tilespmem:v60+s22+$0x0] =	vst.idx.msk $0xffff, v41;
	v30 =	vld.idx.msk [tilespmem:v61+s0+$0x0], $0xffff;
	v41 =	vor.u32 v9, v29  }
0x279: {  	v43 =	vadd.s32 s14, v0;
	v31 =	vor.u32 v18, v22;
	v36 =	vld.idx.msk [tilespmem:v62+s0+$0x0], $0xffff  }
0x27a: {  	s15 =	simm.s32 $0x6;
	v32 =	vor.u32 v19, v32;
	v44 =	vand.u32 $0xF, v43;
	v37 =	vor.u32 v12, v24;
	v42 =	vld.idx.msk [tilespmem:v63+s0+$0x0], $0xffff  }
.LBB2_12:
0x27b: {  	p0 =	sne.s32 s15, $0x7F;
	s18 =	sand.u32 $0x70, s14;
	v45 =	vor.u32 $0x400, v39;
	v46 =	vor.u32 v4, v27;
	v47 =	vor.u32 v13, v28;
	[tilespmem:v34+s22+$0x0] =	vst.idx.msk $0xffff, v33;
	s14 =	smov.u32 s15  }
0x27c: {  	v33 =	vshll.u32 v43, $0x7;
	v48 =	vor.u32 s18, v44;
	v34 =	vor.u32 v7, v45;
	[tilespmem:v40+s22+$0x0] =	vst.idx.msk $0xffff, v38;
	v43 =	vld.idx.msk [tilespmem:v35+s0+$0x0], $0xffff  }
0x27d: {  	v49 =	vmovc v25;
	v25 =	vmovc v28;
	v33 =	vand.u32 $0x380, v33;
	v35 =	vshll.u32 v48, $0x8;
	v44 =	vld.idx.msk [tilespmem:v41+s0+$0x0], $0xffff;
	v41 =	vor.u32 v16, v23  }
0x27e: {  	v50 =	vor.u32 v10, v26;
	v51 =	vor.u32 v17, v49;
	v28 =	vand.u32 $0x7800, v35;
	[tilespmem:v31+s22+$0x0] =	vst.idx.msk $0xffff, v30  }
0x27f: {  	v31 =	vor.u32 v11, v29;
	v39 =	vor.u32 v28, v33;
	[tilespmem:v37+s22+$0x0] =	vst.idx.msk $0xffff, v36;
	v52 =	vld.idx.msk [tilespmem:v32+s0+$0x0], $0xffff  }
0x280: {  	v32 =	vor.u32 v21, v39;
	[tilespmem:v46+s22+$0x0] =	vst.idx.msk $0xffff, v42;
	v33 =	vld.idx.msk [tilespmem:v47+s0+$0x0], $0xffff;
	v46 =	vor.u32 v20, v22  }
.Ltmp5:
0x281: {  	v22 =	vmovc v23;
	v23 =	vmovc v24;
	v38 =	vld.idx.msk [tilespmem:v34+s0+$0x0], $0xffff;
	v34 =	vor.u32 v14, v24;
	v28 =	vmov v29;
	v29 =	vmov v45;
	(pc) =	sbr.rel @p0 .LBB2_12-.Ltmp5, $4  }
0x282: {  	v40 =	vor.u32 v8, v27;
	v35 =	vor.u32 v15, v25;
	v24 =	vmov v26;
	[tilespmem:v41+s22+$0x0] =	vst.idx.msk $0xffff, v43  }
0x283: {  	v26 =	vmov v27;
	v43 =	vadd.s32 s15, v0;
	v41 =	vor.u32 v9, v29;
	[tilespmem:v50+s22+$0x0] =	vst.idx.msk $0xffff, v44;
	v30 =	vld.idx.msk [tilespmem:v51+s0+$0x0], $0xffff  }
0x284: {  	v27 =	vmov v48;
	v44 =	vand.u32 $0xF, v43;
	v36 =	vld.idx.msk [tilespmem:v31+s0+$0x0], $0xffff;
	v31 =	vor.u32 v18, v22  }
0x285: {  	s15 =	sadd.s32 $0x1, s15;
	v37 =	vor.u32 v12, v24;
	v42 =	vld.idx.msk [tilespmem:v32+s0+$0x0], $0xffff;
	v32 =	vor.u32 v19, v49;
	[tilespmem:v46+s22+$0x0] =	vst.idx.msk $0xffff, v52  }
0x286: {  	s14 =	sand.u32 $0x70, s14  }
0x287: {  	v44 =	vor.u32 s14, v44  }
0x288: {  	v43 =	vshll.u32 v43, $0x7;
	v45 =	vshll.u32 v44, $0x8  }
0x289: {  	v43 =	vand.u32 $0x380, v43;
	v45 =	vand.u32 $0x7800, v45  }
0x28a: {  	v43 =	vor.u32 v45, v43  }
0x28b: {  	v45 =	vor.u32 v21, v43;
	_ =	sdelay $0x2  }
0x28c: {  	v39 =	vor.u32 $0x400, v39;
	v46 =	vor.u32 v4, v27  }
0x28d: {  	v47 =	vor.u32 v7, v39  }
0x28e: {  	v48 =	vor.u32 v4, v44;
	v43 =	vor.u32 $0x400, v43;
	v45 =	vld.idx.msk [tilespmem:v45+s0+$0x0], $0xffff  }
0x28f: {  	v49 =	vor.u32 v7, v43;
	_ =	sdelay $0x1  }
0x290: {  	[tilespmem:v46+s22+$0x0] =	vst.idx.msk $0xffff, v42  }
0x291: {  	v62 =	vor.u32 v8, v27;
	v42 =	vld.idx.msk [tilespmem:v47+s0+$0x0], $0xffff  }
0x292: {  	v63 =	vor.u32 v9, v39;
	[tilespmem:v48+s22+$0x0] =	vst.idx.msk $0xffff, v45  }
0x293: {  	[tilespmem:v40+s22+$0x0] =	vst.idx.msk $0xffff, v38;
	v53 =	vor.u32 v8, v44;
	v52 =	vld.idx.msk [tilespmem:v49+s0+$0x0], $0xffff  }
0x294: {  	v55 =	vor.u32 v10, v26;
	v38 =	vld.idx.msk [tilespmem:v41+s0+$0x0], $0xffff;
	v54 =	vor.u32 v9, v43  }
0x295: {  	v56 =	vor.u32 v11, v29  }
0x296: {  	[tilespmem:v62+s22+$0x0] =	vst.idx.msk $0xffff, v42  }
0x297: {  	v57 =	vor.u32 v10, v27;
	v42 =	vld.idx.msk [tilespmem:v63+s0+$0x0], $0xffff  }
0x298: {  	v58 =	vor.u32 v11, v39;
	[tilespmem:v53+s22+$0x0] =	vst.idx.msk $0xffff, v52  }
0x299: {  	v59 =	vor.u32 v10, v44;
	[tilespmem:v55+s22+$0x0] =	vst.idx.msk $0xffff, v38;
	v47 =	vld.idx.msk [tilespmem:v54+s0+$0x0], $0xffff  }
0x29a: {  	v60 =	vor.u32 v11, v43;
	v40 =	vld.idx.msk [tilespmem:v56+s0+$0x0], $0xffff;
	v62 =	vor.u32 v12, v26  }
0x29b: {  	v63 =	vor.u32 v13, v29  }
0x29c: {  	v61 =	vor.u32 v13, v28;
	[tilespmem:v57+s22+$0x0] =	vst.idx.msk $0xffff, v42  }
0x29d: {  	v45 =	vld.idx.msk [tilespmem:v58+s0+$0x0], $0xffff;
	v52 =	vor.u32 v12, v27  }
0x29e: {  	v53 =	vor.u32 v13, v39;
	[tilespmem:v59+s22+$0x0] =	vst.idx.msk $0xffff, v47  }
0x29f: {  	[tilespmem:v62+s22+$0x0] =	vst.idx.msk $0xffff, v40;
	v54 =	vor.u32 v12, v44;
	v48 =	vld.idx.msk [tilespmem:v60+s0+$0x0], $0xffff  }
0x2a0: {  	[tilespmem:v37+s22+$0x0] =	vst.idx.msk $0xffff, v36;
	v50 =	vor.u32 v13, v43;
	v40 =	vld.idx.msk [tilespmem:v63+s0+$0x0], $0xffff;
	v57 =	vor.u32 v14, v26  }
0x2a1: {  	v36 =	vld.idx.msk [tilespmem:v61+s0+$0x0], $0xffff;
	v55 =	vor.u32 v14, v24;
	v58 =	vor.u32 v15, v29  }
0x2a2: {  	v56 =	vor.u32 v15, v28;
	[tilespmem:v52+s22+$0x0] =	vst.idx.msk $0xffff, v45  }
0x2a3: {  	[tilespmem:v34+s22+$0x0] =	vst.idx.msk $0xffff, v33;
	v45 =	vld.idx.msk [tilespmem:v53+s0+$0x0], $0xffff;
	v59 =	vor.u32 v14, v27  }
0x2a4: {  	v34 =	vld.idx.msk [tilespmem:v35+s0+$0x0], $0xffff;
	v60 =	vor.u32 v15, v39;
	[tilespmem:v54+s22+$0x0] =	vst.idx.msk $0xffff, v48  }
0x2a5: {  	v61 =	vor.u32 v14, v44;
	[tilespmem:v57+s22+$0x0] =	vst.idx.msk $0xffff, v40;
	v48 =	vld.idx.msk [tilespmem:v50+s0+$0x0], $0xffff  }
0x2a6: {  	[tilespmem:v55+s22+$0x0] =	vst.idx.msk $0xffff, v36;
	v55 =	vor.u32 v16, v26;
	v62 =	vor.u32 v15, v43;
	v41 =	vld.idx.msk [tilespmem:v58+s0+$0x0], $0xffff  }
0x2a7: {  	v37 =	vld.idx.msk [tilespmem:v56+s0+$0x0], $0xffff;
	v56 =	vor.u32 v17, v29;
	v63 =	vor.u32 v16, v23  }
0x2a8: {  	v52 =	vor.u32 v17, v25;
	v53 =	vor.u32 v16, v24;
	[tilespmem:v59+s22+$0x0] =	vst.idx.msk $0xffff, v45  }
0x2a9: {  	v57 =	vor.u32 v16, v27;
	v54 =	vor.u32 v17, v28;
	v46 =	vld.idx.msk [tilespmem:v60+s0+$0x0], $0xffff  }
0x2aa: {  	v58 =	vor.u32 v17, v39;
	[tilespmem:v61+s22+$0x0] =	vst.idx.msk $0xffff, v48  }
0x2ab: {  	[tilespmem:v55+s22+$0x0] =	vst.idx.msk $0xffff, v41;
	v59 =	vor.u32 v16, v44;
	v33 =	vld.idx.msk [tilespmem:v62+s0+$0x0], $0xffff  }
0x2ac: {  	[tilespmem:v63+s22+$0x0] =	vst.idx.msk $0xffff, v34;
	v51 =	vld.idx.msk [tilespmem:v56+s0+$0x0], $0xffff;
	v60 =	vor.u32 v17, v43  }
0x2ad: {  	v35 =	vld.idx.msk [tilespmem:v52+s0+$0x0], $0xffff;
	v52 =	vor.u32 v18, v26;
	[tilespmem:v53+s22+$0x0] =	vst.idx.msk $0xffff, v37  }
0x2ae: {  	v53 =	vor.u32 v19, v29;
	v37 =	vld.idx.msk [tilespmem:v54+s0+$0x0], $0xffff;
	[tilespmem:v57+s22+$0x0] =	vst.idx.msk $0xffff, v46;
	v61 =	vor.u32 v18, v23  }
0x2af: {  	v55 =	vor.u32 v18, v27;
	v54 =	vld.idx.msk [tilespmem:v58+s0+$0x0], $0xffff;
	v62 =	vor.u32 v19, v25  }
0x2b0: {  	v63 =	vor.u32 v18, v24;
	v56 =	vor.u32 v19, v39;
	[tilespmem:v59+s22+$0x0] =	vst.idx.msk $0xffff, v33  }
0x2b1: {  	[tilespmem:v31+s22+$0x0] =	vst.idx.msk $0xffff, v30;
	v50 =	vor.u32 v19, v28;
	v58 =	vor.u32 v18, v44;
	v57 =	vld.idx.msk [tilespmem:v60+s0+$0x0], $0xffff  }
0x2b2: {  	v22 =	vor.u32 v20, v22;
	v32 =	vld.idx.msk [tilespmem:v32+s0+$0x0], $0xffff;
	[tilespmem:v52+s22+$0x0] =	vst.idx.msk $0xffff, v51;
	v59 =	vor.u32 v19, v43  }
0x2b3: {  	v29 =	vld.idx.msk [tilespmem:v53+s0+$0x0], $0xffff;
	[tilespmem:v61+s22+$0x0] =	vst.idx.msk $0xffff, v35;
	v61 =	vor.u32 v20, v26  }
0x2b4: {  	v23 =	vor.u32 v20, v23;
	[tilespmem:v55+s22+$0x0] =	vst.idx.msk $0xffff, v54;
	v25 =	vld.idx.msk [tilespmem:v62+s0+$0x0], $0xffff  }
0x2b5: {  	[tilespmem:v63+s22+$0x0] =	vst.idx.msk $0xffff, v37;
	v30 =	vld.idx.msk [tilespmem:v56+s0+$0x0], $0xffff;
	v62 =	vor.u32 v20, v27  }
0x2b6: {  	v28 =	vld.idx.msk [tilespmem:v50+s0+$0x0], $0xffff;
	v60 =	vor.u32 v20, v24;
	[tilespmem:v58+s22+$0x0] =	vst.idx.msk $0xffff, v57  }
0x2b7: {  	[tilespmem:v22+s22+$0x0] =	vst.idx.msk $0xffff, v32;
	v63 =	vor.u32 v20, v44;
	v22 =	vld.idx.msk [tilespmem:v59+s0+$0x0], $0xffff  }
0x2b8: {  	[tilespmem:v61+s22+$0x0] =	vst.idx.msk $0xffff, v29  }
0x2b9: {  	[tilespmem:v23+s22+$0x0] =	vst.idx.msk $0xffff, v25  }
0x2ba: {  	[tilespmem:v62+s22+$0x0] =	vst.idx.msk $0xffff, v30  }
0x2bb: {  	[tilespmem:v60+s22+$0x0] =	vst.idx.msk $0xffff, v28  }
0x2bc: {  	s23 =	simm.s32 $0x1C200;
	[tilespmem:v63+s22+$0x0] =	vst.idx.msk $0xffff, v22  }
0x2bd: {  	[hbm4b:s3+s13] =	stream.indirect.scatter [tilespmem:s22], [sflag:$0x2], $0x80, s23, s13, $0xb8;
	[tilespmem:$0x1CA80] =	vst v63  }
0x2be: {  	_ =	swait.ge [sflag:s31], $0x2000  }
0x2bf: {  	[sflag:s31] =	ssyncset.done $0x0  }
0x2c0: {  	[sflag:s31] =	ssyncadd.s32 $0xFFFFE000  }
0x2c1: {  	[hbm4b:s3+s30] =	stream.indirect.scatter [tilespmem:s2], [sflag:$0x4], $0x80, s24, s30, $0xb8;
	[tilespmem:$0x1CA80] =	vst v63  }
0x2c2: {  	_ =	swait.ge [sflag:s20], $0x2000  }
0x2c3: {  	[sflag:s20] =	ssyncset.done $0x0  }
0x2c4: {  	[sflag:s20] =	ssyncadd.s32 $0xFFFFE000  }
0x2c5: {  	[tilespmem:s16], [sflag:$0x3] =	stream.indirect.gather [hbm4b:s1+s30], $0x80, s25, s30, $0xb8;
	[tilespmem:$0x1CA80] =	vst v63  }
0x2c6: {  	_ =	swait.ge [sflag:s31], $0x2000  }
0x2c7: {  	[sflag:s31] =	ssyncset.done $0x0  }
0x2c8: {  	[sflag:s31] =	ssyncadd.s32 $0xFFFFE000  }
0x2c9: {  	[hbm4b:s3+s30] =	stream.indirect.scatter [tilespmem:s16], [sflag:$0x4], $0x80, s26, s30, $0xb8;
	[tilespmem:$0x1CA80] =	vst v63  }
0x2ca: {  	_ =	swait.ge [sflag:s29], $0x4000  }
0x2cb: {  	[sflag:s29] =	ssyncset.done $0x0  }
0x2cc: {  	[sflag:s29] =	ssyncadd.s32 $0xFFFFC000  }
0x2cd: {  	_ =	swait.ge [sflag:s29], $0x4000  }
0x2ce: {  	[sflag:s29] =	ssyncset.done $0x0  }
0x2cf: {  	s28 =	sadd.s32 $0x1, s28;
	[sflag:s29] =	ssyncadd.s32 $0xFFFFC000  }
0x2d0: {  	p0 =	sne.s32 s28, s10;
	_ =	swait.ge [sflag:s20], $0x2000  }
.Ltmp6:
0x2d1: {  	[sflag:s20] =	ssyncset.done $0x0;
	(pc) =	sbr.rel @p0 .LBB2_1-.Ltmp6, $4  }
0x2d2: {  	[sflag:s20] =	ssyncadd.s32 $0xFFFFE000  }
0x2d3: {  	_ =	swait.ge [sflag:s20], $0x2000  }
0x2d4: {  	[sflag:s20] =	ssyncset.done $0x0  }
0x2d5: {  	[sflag:s20] =	ssyncadd.s32 $0xFFFFE000  }
0x2d6: {  	_ =	sfence.sel $0x180000  }
0x2d7: {  	[bflag:$0x0] =	sbarrier.arrive $0xFFFF  }
0x2d8: {  	_ =	strace $0x90000047  }
0x2d9: {  	s0 =	stileid.u32;
	[bflag:$0x2] =	sbarrier.arrive $0xFFFF  }
0x2da: {  	p0 =	sne.s32 s0, $0x0;
	s0 =	rddreg [dreg:$0x4]  }
0x2db: {  	s0 =	sadd.s32 @!p0 $0x100000, s0  }
0x2dc: {  	[sflag:s0] =	ssyncadd.tile.s32 @!p0 $0x1;
	_ =	shalt  }
.Lfunc_end2:
_tile_overlayer_lowered:
.L_overlay_start_2:
0x2dd: {  	(tag) =	ssettag $0x2  }
0x2de: {  	s0 =	rddreg [dreg:$0x0];
	s2 =	stileid.u32  }
0x2df: {  	s1 =	rddreg [dreg:$0x1];
	p0 =	sne.s32 s2, $0x0  }
0x2e0: {  	s3 =	rddreg [dreg:$0x2];
	[bflag:$0x3] =	sbarrier.arrive $0xFFFF;
	s2 =	simm.s32 @!p0 $0x1C05  }
0x2e1: {  	[timem:s3], [sflag:s2] =	dma.local @!p0 [hbm:s0], s1  }
0x2e2: {  	s0 =	simm.s32 @!p0 $0x5  }
0x2e3: {  	_ =	swait.ge @!p0 [sflag:s0], s1  }
0x2e4: {  	s1 =	ssub.s32 @!p0 $0x0, s1;
	[sflag:s0] =	ssyncset.done @!p0 $0x0  }
0x2e5: {  	[sflag:s0] =	ssyncadd.s32 @!p0 s1  }
0x2e6: {  	[bflag:$0x3] =	sbarrier.arrive $0xFFFF  }
0x2e7: {  	_ =	shalt  }

</sc_bundles>
